<compile_context>
chip_gen: v7x
topology: tpu7x:2x2x1
jax: 0.10.2.dev20260603
libtpu: 0.0.44.dev20260713+nightly
codegen_flags: <defaults>
</compile_context>

<pallas_src>
import functools

import jax
import jax.numpy as jnp
from jax import lax
from jax.experimental import pallas as pl
from jax.experimental.pallas import tpu as pltpu
from jax.experimental.pallas import tpu_sc as plsc

N = 10000
E = 320000
D = 128
NC = 2
NS = 16
NW = NC * NS
EW = E // NW
ET = E // NS
K0_CH = 2
K2_CH = 5
K2_CS = EW // K2_CH

_mesh = plsc.VectorSubcoreMesh(core_axis_name="c", subcore_axis_name="s")


@functools.partial(
    pl.kernel,
    out_type=jax.ShapeDtypeStruct((NC, N), jnp.float32),
    mesh=_mesh,
    scratch_types=[
        [pltpu.VMEM((ET // K0_CH,), jnp.int32) for _ in range(K0_CH)],
        pltpu.VMEM((ET // K0_CH,), jnp.float32),
        pltpu.VMEM_SHARED((N,), jnp.float32),
        pltpu.SemaphoreType.DMA,
    ],
)
def _k0_degrees(idx_hbm, zeros_hbm, ones_hbm, deg_out, idx_v, ones_v, acc, sem):
    cid = lax.axis_index("c")
    sid = lax.axis_index("s")

    @pl.when(sid == 0)
    def _():
        pltpu.sync_copy(zeros_hbm, acc)

    for j in range(K0_CH):
        pltpu.sync_copy(idx_hbm.at[(cid * NS + sid) * K0_CH + j], idx_v[j])
    pltpu.sync_copy(ones_hbm, ones_v)
    plsc.subcore_barrier()

    descs = [
        pltpu.async_copy(ones_v, acc.at[idx_v[j]], sem, add=True)
        for j in range(K0_CH)
    ]
    for d in descs:
        d.wait()
    plsc.subcore_barrier()

    @pl.when(sid == 0)
    def _():
        pltpu.sync_copy(acc, deg_out.at[cid])


def _k1_body(x_ref, wg_ref, wc_ref, deg_ref, s_ref, nd_ref):
    w = jnp.dot(wg_ref[...], wc_ref[...], preferred_element_type=jnp.float32)
    t = jnp.dot(x_ref[...], w, preferred_element_type=jnp.float32)
    s_ref[...] = lax.rsqrt(jnp.maximum(deg_ref[0], 1.0)) * t.reshape(N)
    nd_ref[...] = lax.rsqrt(jnp.maximum(deg_ref[1], 1.0))


_k1_scale = pl.pallas_call(
    _k1_body,
    out_shape=(
        jax.ShapeDtypeStruct((N,), jnp.float32),
        jax.ShapeDtypeStruct((N,), jnp.float32),
    ),
)


@functools.partial(
    pl.kernel,
    out_type=jax.ShapeDtypeStruct((NC, N), jnp.float32),
    mesh=_mesh,
    scratch_types=[
        pltpu.VMEM((EW,), jnp.int32),
        [pltpu.VMEM((K2_CS,), jnp.int32) for _ in range(K2_CH)],
        pltpu.VMEM((EW,), jnp.float32),
        pltpu.VMEM_SHARED((N,), jnp.float32),
        pltpu.VMEM_SHARED((N,), jnp.float32),
        pltpu.SemaphoreType.DMA,
        pltpu.SemaphoreType.DMA,
    ],
)
def _k2_scatter(src_hbm, dst_hbm, s_hbm, zeros_hbm, parts_out,
                idx_s, idx_d, vals, acc, s_sh, gsem, ssem):
    cid = lax.axis_index("c")
    sid = lax.axis_index("s")
    wid = cid * NS + sid

    @pl.when(sid == 0)
    def _():
        pltpu.sync_copy(zeros_hbm, acc)

    @pl.when(sid == 1)
    def _():
        pltpu.sync_copy(s_hbm, s_sh)

    pltpu.sync_copy(src_hbm.at[wid], idx_s)
    for j in range(K2_CH):
        pltpu.sync_copy(dst_hbm.at[wid * K2_CH + j], idx_d[j])
    plsc.subcore_barrier()

    def _six(j):
        return idx_s.at[pl.ds(j * K2_CS, K2_CS)]

    def _vix(j):
        return vals.at[pl.ds(j * K2_CS, K2_CS)]

    gathers = [None] * K2_CH
    gathers[0] = pltpu.async_copy(s_sh.at[_six(0)], _vix(0), gsem)
    scatter = None
    for j in range(K2_CH):
        gathers[j].wait()
        if j + 1 < K2_CH:
            gathers[j + 1] = pltpu.async_copy(
                s_sh.at[_six(j + 1)], _vix(j + 1), gsem)
        if scatter is not None:
            scatter.wait()
        scatter = pltpu.async_copy(
            _vix(j), acc.at[idx_d[j]], ssem, add=True)
    scatter.wait()
    plsc.subcore_barrier()

    @pl.when(sid == 0)
    def _():
        pltpu.sync_copy(acc, parts_out.at[cid])


def _k3_body(p_ref, nd_ref, bg_ref, wc_ref, bc_ref, y_ref):
    const = jnp.sum(bg_ref[...] * wc_ref[...]) + bc_ref[0, 0]
    y = nd_ref[...] * (p_ref[0] + p_ref[1]) + const
    y_ref[...] = y.reshape(N, 1)


_k3_combine = pl.pallas_call(
    _k3_body,
    out_shape=jax.ShapeDtypeStruct((N, 1), jnp.float32),
)


def kernel(x, edge_index, W_gc, b_gc, W_cls, b_cls):
    idx_all = edge_index.reshape(NW * K0_CH, ET // K0_CH)
    zeros = jnp.zeros((N,), jnp.float32)
    ones = jnp.ones((ET // K0_CH,), jnp.float32)
    deg = _k0_degrees(idx_all, zeros, ones)

    s, nd = _k1_scale(x, W_gc, W_cls, deg)

    src_b = edge_index[0].reshape(NW, EW)
    dst_b = edge_index[1].reshape(NW * K2_CH, K2_CS)
    parts = _k2_scatter(src_b, dst_b, s, zeros)

    y = _k3_combine(parts, nd,
                    b_gc.reshape(1, D), W_cls.reshape(1, D),
                    b_cls.reshape(1, 1))
    return y

# --- scband reference (transcript-rebuilt; emitter-appended) ---
"""Pipeline reference for scband-var-fair-gnn-19825569038441 (READ-ONLY COPY).

The authoritative reference and input builder live on the scoring server;
editing this copy changes nothing except your own understanding.
"""

import jax, jax.numpy as jnp
import numpy as np

N_NODES = 10000
N_EDGES = 320000
D_FEAT = 128
N_HID = 128


def setup_inputs(seed: int = 0) -> dict:
    key = jax.random.key(seed)
    k1, k2, k3, k4, k5 = jax.random.split(key, 5)
    x = jax.random.normal(k1, (N_NODES, D_FEAT), dtype=jnp.float32)
    edge_index = jax.random.randint(k2, (2, N_EDGES), 0, N_NODES, dtype=jnp.int32)
    w_std = 1.0 / np.sqrt(D_FEAT)
    W_gc = jax.random.uniform(k3, (D_FEAT, N_HID), minval=-w_std, maxval=w_std, dtype=jnp.float32)
    b_gc = jnp.zeros((N_HID,), dtype=jnp.float32)
    c_std = 1.0 / np.sqrt(N_HID)
    W_cls = jax.random.uniform(k4, (N_HID, 1), minval=-c_std, maxval=c_std, dtype=jnp.float32)
    b_cls = jax.random.uniform(k5, (1,), minval=-c_std, maxval=c_std, dtype=jnp.float32)
    return {"x": x, "edge_index": edge_index, "W_gc": W_gc, "b_gc": b_gc, "W_cls": W_cls, "b_cls": b_cls}


def reference(x, edge_index, W_gc, b_gc, W_cls, b_cls):
    # VarFairGNN.forward: z = GCN_Body(g, x); y = classifier(z)
    # GCN_Body = single DGL GraphConv(nfeat, nhid), norm='both':
    #   h = D_dst^{-1/2} A D_src^{-1/2} X W + b
    N = x.shape[0]
    src = edge_index[0]
    dst = edge_index[1]
    ones = jnp.ones((src.shape[0],), dtype=jnp.float32)
    out_deg = jnp.zeros((N,), dtype=jnp.float32).at[src].add(ones)
    in_deg = jnp.zeros((N,), dtype=jnp.float32).at[dst].add(ones)
    norm_src = jax.lax.rsqrt(jnp.clip(out_deg, 1.0, None))
    norm_dst = jax.lax.rsqrt(jnp.clip(in_deg, 1.0, None))
    h = (x * norm_src[:, None]) @ W_gc
    msg = jnp.take(h, src, axis=0)
    agg = jnp.zeros((N, h.shape[1]), dtype=jnp.float32).at[dst].add(msg)
    z = agg * norm_dst[:, None] + b_gc
    # classifier: Linear(nhid, 1)
    y = z @ W_cls + b_cls
    return y

if __name__ == "__main__":
    import jax
    _d = setup_inputs()
    print(jax.jit(kernel)(*tuple(_d.values())))

</pallas_src>

<mosaic_0001>
#map = affine_map<(d0, d1) -> (0, 0)>
#map1 = affine_map<(d0, d1) -> (0)>
module attributes {stable_mosaic.version = 14 : i64} {
  func.func @_k0_degrees(%arg0: i32, %arg1: i32, %arg2: memref<64x10000xi32, #tpu.memory_space<hbm>>, %arg3: memref<10000xf32, #tpu.memory_space<hbm>>, %arg4: memref<10000xf32, #tpu.memory_space<hbm>>, %arg5: memref<2x10000xf32, #tpu.memory_space<hbm>>, %arg6: memref<10000xi32, #tpu.memory_space<vmem>>, %arg7: memref<10000xi32, #tpu.memory_space<vmem>>, %arg8: memref<10000xf32, #tpu.memory_space<vmem>>, %arg9: memref<10000xf32, #tpu.memory_space<vmem_shared>>, %arg10: memref<!tpu.dma_semaphore, #tpu.memory_space<semaphore_mem>>) attributes {dimension_semantics = [#tpu.dimension_semantics<core_parallel>, #tpu.dimension_semantics<subcore_parallel>], iteration_bounds = array<i64: 2, 16>, scalar_prefetch = 0 : i64, scratch_operands = 5 : i64, tpu.core_type = #tpu.core_type<sc_vector_subcore>, window_params = [{transform_indices = #map}, {transform_indices = #map1}, {transform_indices = #map1}, {transform_indices = #map}]} {
    %eq3A = arith.constant 0 : i32
    %eq3A_0 = arith.cmpi eq, %arg1, %eq3A : i32
    %convert_element_type3A = arith.extui %eq3A_0 : i1 to i32
    %cond3A = arith.constant 0 : i32
    %cond3A_1 = arith.cmpi ne, %convert_element_type3A, %cond3A : i32
    scf.if %cond3A_1 {
      "tpu.region"() ({
        %run_scoped3A = tpu.sem_alloc : memref<!tpu.dma_semaphore, #tpu.memory_space<semaphore_mem>>
        tpu.enqueue_dma source(%arg3 : memref<10000xf32, #tpu.memory_space<hbm>>) target(%arg9 : memref<10000xf32, #tpu.memory_space<vmem_shared>>) target_semaphore(%run_scoped3A : memref<!tpu.dma_semaphore, #tpu.memory_space<semaphore_mem>>)
        tpu.wait_dma2 semaphore(%run_scoped3A : memref<!tpu.dma_semaphore, #tpu.memory_space<semaphore_mem>>) src(%arg3 : memref<10000xf32, #tpu.memory_space<hbm>>) dst(%arg9 : memref<10000xf32, #tpu.memory_space<vmem_shared>>)
        tpu.yield
      }) : () -> ()
    } else {
    }
    %mul3A = arith.constant 16 : i32
    %mul3A_2 = arith.muli %arg0, %mul3A : i32
    %add3A = arith.addi %mul3A_2, %arg1 : i32
    %mul3A_3 = arith.constant 2 : i32
    %mul3A_4 = arith.muli %add3A, %mul3A_3 : i32
    %add3A_5 = arith.constant 0 : i32
    %add3A_6 = arith.addi %mul3A_4, %add3A_5 : i32
    "tpu.region"() ({
      %run_scoped3A = tpu.sem_alloc : memref<!tpu.dma_semaphore, #tpu.memory_space<semaphore_mem>>
      %dma_start3A_26 = arith.constant 0 : i32
      %dma_start3A_27 = tpu.memref_slice %arg2[%add3A_6, %dma_start3A_26] : memref<64x10000xi32, #tpu.memory_space<hbm>> -> memref<1x10000xi32, #tpu.memory_space<hbm>>
      %dma_start3A_28 = tpu.memref_squeeze %dma_start3A_27 : memref<1x10000xi32, #tpu.memory_space<hbm>> -> memref<10000xi32, #tpu.memory_space<hbm>>
      %dma_start3A_29 = arith.constant 0 : i32
      %dma_start3A_30 = tpu.memref_slice %arg2[%add3A_6, %dma_start3A_29] : memref<64x10000xi32, #tpu.memory_space<hbm>> -> memref<1x10000xi32, #tpu.memory_space<hbm>>
      %dma_start3A_31 = tpu.memref_squeeze %dma_start3A_30 : memref<1x10000xi32, #tpu.memory_space<hbm>> -> memref<10000xi32, #tpu.memory_space<hbm>>
      tpu.enqueue_dma source(%dma_start3A_31 : memref<10000xi32, #tpu.memory_space<hbm>>) target(%arg6 : memref<10000xi32, #tpu.memory_space<vmem>>) target_semaphore(%run_scoped3A : memref<!tpu.dma_semaphore, #tpu.memory_space<semaphore_mem>>)
      %dma_wait3A_32 = arith.constant 0 : i32
      %dma_wait3A_33 = tpu.memref_slice %arg2[%add3A_6, %dma_wait3A_32] : memref<64x10000xi32, #tpu.memory_space<hbm>> -> memref<1x10000xi32, #tpu.memory_space<hbm>>
      %dma_wait3A_34 = tpu.memref_squeeze %dma_wait3A_33 : memref<1x10000xi32, #tpu.memory_space<hbm>> -> memref<10000xi32, #tpu.memory_space<hbm>>
      %dma_wait3A_35 = arith.constant 0 : i32
      %dma_wait3A_36 = tpu.memref_slice %arg2[%add3A_6, %dma_wait3A_35] : memref<64x10000xi32, #tpu.memory_space<hbm>> -> memref<1x10000xi32, #tpu.memory_space<hbm>>
      %dma_wait3A_37 = tpu.memref_squeeze %dma_wait3A_36 : memref<1x10000xi32, #tpu.memory_space<hbm>> -> memref<10000xi32, #tpu.memory_space<hbm>>
      tpu.wait_dma2 semaphore(%run_scoped3A : memref<!tpu.dma_semaphore, #tpu.memory_space<semaphore_mem>>) src(%dma_wait3A_37 : memref<10000xi32, #tpu.memory_space<hbm>>) dst(%arg6 : memref<10000xi32, #tpu.memory_space<vmem>>)
      tpu.yield
    }) : () -> ()
    %mul3A_7 = arith.constant 16 : i32
    %mul3A_8 = arith.muli %arg0, %mul3A_7 : i32
    %add3A_9 = arith.addi %mul3A_8, %arg1 : i32
    %mul3A_10 = arith.constant 2 : i32
    %mul3A_11 = arith.muli %add3A_9, %mul3A_10 : i32
    %add3A_12 = arith.constant 1 : i32
    %add3A_13 = arith.addi %mul3A_11, %add3A_12 : i32
    "tpu.region"() ({
      %run_scoped3A = tpu.sem_alloc : memref<!tpu.dma_semaphore, #tpu.memory_space<semaphore_mem>>
      %dma_start3A_26 = arith.constant 0 : i32
      %dma_start3A_27 = tpu.memref_slice %arg2[%add3A_13, %dma_start3A_26] : memref<64x10000xi32, #tpu.memory_space<hbm>> -> memref<1x10000xi32, #tpu.memory_space<hbm>>
      %dma_start3A_28 = tpu.memref_squeeze %dma_start3A_27 : memref<1x10000xi32, #tpu.memory_space<hbm>> -> memref<10000xi32, #tpu.memory_space<hbm>>
      %dma_start3A_29 = arith.constant 0 : i32
      %dma_start3A_30 = tpu.memref_slice %arg2[%add3A_13, %dma_start3A_29] : memref<64x10000xi32, #tpu.memory_space<hbm>> -> memref<1x10000xi32, #tpu.memory_space<hbm>>
      %dma_start3A_31 = tpu.memref_squeeze %dma_start3A_30 : memref<1x10000xi32, #tpu.memory_space<hbm>> -> memref<10000xi32, #tpu.memory_space<hbm>>
      tpu.enqueue_dma source(%dma_start3A_31 : memref<10000xi32, #tpu.memory_space<hbm>>) target(%arg7 : memref<10000xi32, #tpu.memory_space<vmem>>) target_semaphore(%run_scoped3A : memref<!tpu.dma_semaphore, #tpu.memory_space<semaphore_mem>>)
      %dma_wait3A_32 = arith.constant 0 : i32
      %dma_wait3A_33 = tpu.memref_slice %arg2[%add3A_13, %dma_wait3A_32] : memref<64x10000xi32, #tpu.memory_space<hbm>> -> memref<1x10000xi32, #tpu.memory_space<hbm>>
      %dma_wait3A_34 = tpu.memref_squeeze %dma_wait3A_33 : memref<1x10000xi32, #tpu.memory_space<hbm>> -> memref<10000xi32, #tpu.memory_space<hbm>>
      %dma_wait3A_35 = arith.constant 0 : i32
      %dma_wait3A_36 = tpu.memref_slice %arg2[%add3A_13, %dma_wait3A_35] : memref<64x10000xi32, #tpu.memory_space<hbm>> -> memref<1x10000xi32, #tpu.memory_space<hbm>>
      %dma_wait3A_37 = tpu.memref_squeeze %dma_wait3A_36 : memref<1x10000xi32, #tpu.memory_space<hbm>> -> memref<10000xi32, #tpu.memory_space<hbm>>
      tpu.wait_dma2 semaphore(%run_scoped3A : memref<!tpu.dma_semaphore, #tpu.memory_space<semaphore_mem>>) src(%dma_wait3A_37 : memref<10000xi32, #tpu.memory_space<hbm>>) dst(%arg7 : memref<10000xi32, #tpu.memory_space<vmem>>)
      tpu.yield
    }) : () -> ()
    "tpu.region"() ({
      %run_scoped3A = tpu.sem_alloc : memref<!tpu.dma_semaphore, #tpu.memory_space<semaphore_mem>>
      tpu.enqueue_dma source(%arg4 : memref<10000xf32, #tpu.memory_space<hbm>>) target(%arg8 : memref<10000xf32, #tpu.memory_space<vmem>>) target_semaphore(%run_scoped3A : memref<!tpu.dma_semaphore, #tpu.memory_space<semaphore_mem>>)
      tpu.wait_dma2 semaphore(%run_scoped3A : memref<!tpu.dma_semaphore, #tpu.memory_space<semaphore_mem>>) src(%arg4 : memref<10000xf32, #tpu.memory_space<hbm>>) dst(%arg8 : memref<10000xf32, #tpu.memory_space<vmem>>)
      tpu.yield
    }) : () -> ()
    %barrier3A = arith.constant 0 : index
    tpu.barrier barrier_id(%barrier3A)
    %dma_start3A = arith.constant 0 : i32
    %dma_start3A_14 = tpu.memref_slice %arg9[%dma_start3A] : memref<10000xf32, #tpu.memory_space<vmem_shared>> -> memref<10000xf32, #tpu.memory_space<vmem_shared>>
    tpu.enqueue_indirect_dma source(%arg8 : memref<10000xf32, #tpu.memory_space<vmem>>) target(%dma_start3A_14 : memref<10000xf32, #tpu.memory_space<vmem_shared>>) offsets(%arg6 : memref<10000xi32, #tpu.memory_space<vmem>>) semaphore(%arg10 : memref<!tpu.dma_semaphore, #tpu.memory_space<semaphore_mem>>) {add = true}
    %dma_start3A_15 = arith.constant 0 : i32
    %dma_start3A_16 = tpu.memref_slice %arg9[%dma_start3A_15] : memref<10000xf32, #tpu.memory_space<vmem_shared>> -> memref<10000xf32, #tpu.memory_space<vmem_shared>>
    tpu.enqueue_indirect_dma source(%arg8 : memref<10000xf32, #tpu.memory_space<vmem>>) target(%dma_start3A_16 : memref<10000xf32, #tpu.memory_space<vmem_shared>>) offsets(%arg7 : memref<10000xi32, #tpu.memory_space<vmem>>) semaphore(%arg10 : memref<!tpu.dma_semaphore, #tpu.memory_space<semaphore_mem>>) {add = true}
    %dma_wait3A = arith.constant 0 : i32
    %dma_wait3A_17 = tpu.memref_slice %arg9[%dma_wait3A] : memref<10000xf32, #tpu.memory_space<vmem_shared>> -> memref<10000xf32, #tpu.memory_space<vmem_shared>>
    tpu.wait_indirect_dma semaphore(%arg10 : memref<!tpu.dma_semaphore, #tpu.memory_space<semaphore_mem>>) src(%arg8 : memref<10000xf32, #tpu.memory_space<vmem>>) dst(%dma_wait3A_17 : memref<10000xf32, #tpu.memory_space<vmem_shared>>)
    %dma_wait3A_18 = arith.constant 0 : i32
    %dma_wait3A_19 = tpu.memref_slice %arg9[%dma_wait3A_18] : memref<10000xf32, #tpu.memory_space<vmem_shared>> -> memref<10000xf32, #tpu.memory_space<vmem_shared>>
    tpu.wait_indirect_dma semaphore(%arg10 : memref<!tpu.dma_semaphore, #tpu.memory_space<semaphore_mem>>) src(%arg8 : memref<10000xf32, #tpu.memory_space<vmem>>) dst(%dma_wait3A_19 : memref<10000xf32, #tpu.memory_space<vmem_shared>>)
    %barrier3A_20 = arith.constant 0 : index
    tpu.barrier barrier_id(%barrier3A_20)
    %eq3A_21 = arith.constant 0 : i32
    %eq3A_22 = arith.cmpi eq, %arg1, %eq3A_21 : i32
    %convert_element_type3A_23 = arith.extui %eq3A_22 : i1 to i32
    %cond3A_24 = arith.constant 0 : i32
    %cond3A_25 = arith.cmpi ne, %convert_element_type3A_23, %cond3A_24 : i32
    scf.if %cond3A_25 {
      "tpu.region"() ({
        %run_scoped3A = tpu.sem_alloc : memref<!tpu.dma_semaphore, #tpu.memory_space<semaphore_mem>>
        %dma_start3A_26 = arith.constant 0 : i32
        %dma_start3A_27 = tpu.memref_slice %arg5[%arg0, %dma_start3A_26] : memref<2x10000xf32, #tpu.memory_space<hbm>> -> memref<1x10000xf32, #tpu.memory_space<hbm>>
        %dma_start3A_28 = tpu.memref_squeeze %dma_start3A_27 : memref<1x10000xf32, #tpu.memory_space<hbm>> -> memref<10000xf32, #tpu.memory_space<hbm>>
        tpu.enqueue_dma source(%arg9 : memref<10000xf32, #tpu.memory_space<vmem_shared>>) target(%dma_start3A_28 : memref<10000xf32, #tpu.memory_space<hbm>>) target_semaphore(%run_scoped3A : memref<!tpu.dma_semaphore, #tpu.memory_space<semaphore_mem>>)
        %dma_wait3A_29 = arith.constant 0 : i32
        %dma_wait3A_30 = tpu.memref_slice %arg5[%arg0, %dma_wait3A_29] : memref<2x10000xf32, #tpu.memory_space<hbm>> -> memref<1x10000xf32, #tpu.memory_space<hbm>>
        %dma_wait3A_31 = tpu.memref_squeeze %dma_wait3A_30 : memref<1x10000xf32, #tpu.memory_space<hbm>> -> memref<10000xf32, #tpu.memory_space<hbm>>
        tpu.wait_dma2 semaphore(%run_scoped3A : memref<!tpu.dma_semaphore, #tpu.memory_space<semaphore_mem>>) src(%arg9 : memref<10000xf32, #tpu.memory_space<vmem_shared>>) dst(%dma_wait3A_31 : memref<10000xf32, #tpu.memory_space<hbm>>)
        tpu.yield
      }) : () -> ()
    } else {
    }
    return
  }
}

#map = affine_map<(d0, d1) -> (0, 0)>
#map1 = affine_map<(d0, d1) -> (0)>
module attributes {stable_mosaic.version = 14 : i64} {
  func.func @_k2_scatter(%arg0: i32, %arg1: i32, %arg2: memref<32x10000xi32, #tpu.memory_space<hbm>>, %arg3: memref<160x2000xi32, #tpu.memory_space<hbm>>, %arg4: memref<10000xf32, #tpu.memory_space<hbm>>, %arg5: memref<10000xf32, #tpu.memory_space<hbm>>, %arg6: memref<2x10000xf32, #tpu.memory_space<hbm>>, %arg7: memref<10000xi32, #tpu.memory_space<vmem>>, %arg8: memref<2000xi32, #tpu.memory_space<vmem>>, %arg9: memref<2000xi32, #tpu.memory_space<vmem>>, %arg10: memref<2000xi32, #tpu.memory_space<vmem>>, %arg11: memref<2000xi32, #tpu.memory_space<vmem>>, %arg12: memref<2000xi32, #tpu.memory_space<vmem>>, %arg13: memref<10000xf32, #tpu.memory_space<vmem>>, %arg14: memref<10000xf32, #tpu.memory_space<vmem_shared>>, %arg15: memref<10000xf32, #tpu.memory_space<vmem_shared>>, %arg16: memref<!tpu.dma_semaphore, #tpu.memory_space<semaphore_mem>>, %arg17: memref<!tpu.dma_semaphore, #tpu.memory_space<semaphore_mem>>) attributes {dimension_semantics = [#tpu.dimension_semantics<core_parallel>, #tpu.dimension_semantics<subcore_parallel>], iteration_bounds = array<i64: 2, 16>, scalar_prefetch = 0 : i64, scratch_operands = 11 : i64, tpu.core_type = #tpu.core_type<sc_vector_subcore>, window_params = [{transform_indices = #map}, {transform_indices = #map}, {transform_indices = #map1}, {transform_indices = #map1}, {transform_indices = #map}]} {
    %mul3A = arith.constant 16 : i32
    %mul3A_0 = arith.muli %arg0, %mul3A : i32
    %add3A = arith.addi %mul3A_0, %arg1 : i32
    %eq3A = arith.constant 0 : i32
    %eq3A_1 = arith.cmpi eq, %arg1, %eq3A : i32
    %convert_element_type3A = arith.extui %eq3A_1 : i1 to i32
    %cond3A = arith.constant 0 : i32
    %cond3A_2 = arith.cmpi ne, %convert_element_type3A, %cond3A : i32
    scf.if %cond3A_2 {
      "tpu.region"() ({
        %run_scoped3A = tpu.sem_alloc : memref<!tpu.dma_semaphore, #tpu.memory_space<semaphore_mem>>
        tpu.enqueue_dma source(%arg5 : memref<10000xf32, #tpu.memory_space<hbm>>) target(%arg14 : memref<10000xf32, #tpu.memory_space<vmem_shared>>) target_semaphore(%run_scoped3A : memref<!tpu.dma_semaphore, #tpu.memory_space<semaphore_mem>>)
        tpu.wait_dma2 semaphore(%run_scoped3A : memref<!tpu.dma_semaphore, #tpu.memory_space<semaphore_mem>>) src(%arg5 : memref<10000xf32, #tpu.memory_space<hbm>>) dst(%arg14 : memref<10000xf32, #tpu.memory_space<vmem_shared>>)
        tpu.yield
      }) : () -> ()
    } else {
    }
    %eq3A_3 = arith.constant 1 : i32
    %eq3A_4 = arith.cmpi eq, %arg1, %eq3A_3 : i32
    %convert_element_type3A_5 = arith.extui %eq3A_4 : i1 to i32
    %cond3A_6 = arith.constant 0 : i32
    %cond3A_7 = arith.cmpi ne, %convert_element_type3A_5, %cond3A_6 : i32
    scf.if %cond3A_7 {
      "tpu.region"() ({
        %run_scoped3A = tpu.sem_alloc : memref<!tpu.dma_semaphore, #tpu.memory_space<semaphore_mem>>
        tpu.enqueue_dma source(%arg4 : memref<10000xf32, #tpu.memory_space<hbm>>) target(%arg15 : memref<10000xf32, #tpu.memory_space<vmem_shared>>) target_semaphore(%run_scoped3A : memref<!tpu.dma_semaphore, #tpu.memory_space<semaphore_mem>>)
        tpu.wait_dma2 semaphore(%run_scoped3A : memref<!tpu.dma_semaphore, #tpu.memory_space<semaphore_mem>>) src(%arg4 : memref<10000xf32, #tpu.memory_space<hbm>>) dst(%arg15 : memref<10000xf32, #tpu.memory_space<vmem_shared>>)
        tpu.yield
      }) : () -> ()
    } else {
    }
    "tpu.region"() ({
      %run_scoped3A = tpu.sem_alloc : memref<!tpu.dma_semaphore, #tpu.memory_space<semaphore_mem>>
      %dma_start3A_132 = arith.constant 0 : i32
      %dma_start3A_133 = tpu.memref_slice %arg2[%add3A, %dma_start3A_132] : memref<32x10000xi32, #tpu.memory_space<hbm>> -> memref<1x10000xi32, #tpu.memory_space<hbm>>
      %dma_start3A_134 = tpu.memref_squeeze %dma_start3A_133 : memref<1x10000xi32, #tpu.memory_space<hbm>> -> memref<10000xi32, #tpu.memory_space<hbm>>
      %dma_start3A_135 = arith.constant 0 : i32
      %dma_start3A_136 = tpu.memref_slice %arg2[%add3A, %dma_start3A_135] : memref<32x10000xi32, #tpu.memory_space<hbm>> -> memref<1x10000xi32, #tpu.memory_space<hbm>>
      %dma_start3A_137 = tpu.memref_squeeze %dma_start3A_136 : memref<1x10000xi32, #tpu.memory_space<hbm>> -> memref<10000xi32, #tpu.memory_space<hbm>>
      tpu.enqueue_dma source(%dma_start3A_137 : memref<10000xi32, #tpu.memory_space<hbm>>) target(%arg7 : memref<10000xi32, #tpu.memory_space<vmem>>) target_semaphore(%run_scoped3A : memref<!tpu.dma_semaphore, #tpu.memory_space<semaphore_mem>>)
      %dma_wait3A_138 = arith.constant 0 : i32
      %dma_wait3A_139 = tpu.memref_slice %arg2[%add3A, %dma_wait3A_138] : memref<32x10000xi32, #tpu.memory_space<hbm>> -> memref<1x10000xi32, #tpu.memory_space<hbm>>
      %dma_wait3A_140 = tpu.memref_squeeze %dma_wait3A_139 : memref<1x10000xi32, #tpu.memory_space<hbm>> -> memref<10000xi32, #tpu.memory_space<hbm>>
      %dma_wait3A_141 = arith.constant 0 : i32
      %dma_wait3A_142 = tpu.memref_slice %arg2[%add3A, %dma_wait3A_141] : memref<32x10000xi32, #tpu.memory_space<hbm>> -> memref<1x10000xi32, #tpu.memory_space<hbm>>
      %dma_wait3A_143 = tpu.memref_squeeze %dma_wait3A_142 : memref<1x10000xi32, #tpu.memory_space<hbm>> -> memref<10000xi32, #tpu.memory_space<hbm>>
      tpu.wait_dma2 semaphore(%run_scoped3A : memref<!tpu.dma_semaphore, #tpu.memory_space<semaphore_mem>>) src(%dma_wait3A_143 : memref<10000xi32, #tpu.memory_space<hbm>>) dst(%arg7 : memref<10000xi32, #tpu.memory_space<vmem>>)
      tpu.yield
    }) : () -> ()
    %mul3A_8 = arith.constant 5 : i32
    %mul3A_9 = arith.muli %add3A, %mul3A_8 : i32
    %add3A_10 = arith.constant 0 : i32
    %add3A_11 = arith.addi %mul3A_9, %add3A_10 : i32
    "tpu.region"() ({
      %run_scoped3A = tpu.sem_alloc : memref<!tpu.dma_semaphore, #tpu.memory_space<semaphore_mem>>
      %dma_start3A_132 = arith.constant 0 : i32
      %dma_start3A_133 = tpu.memref_slice %arg3[%add3A_11, %dma_start3A_132] : memref<160x2000xi32, #tpu.memory_space<hbm>> -> memref<1x2000xi32, #tpu.memory_space<hbm>>
      %dma_start3A_134 = tpu.memref_squeeze %dma_start3A_133 : memref<1x2000xi32, #tpu.memory_space<hbm>> -> memref<2000xi32, #tpu.memory_space<hbm>>
      %dma_start3A_135 = arith.constant 0 : i32
      %dma_start3A_136 = tpu.memref_slice %arg3[%add3A_11, %dma_start3A_135] : memref<160x2000xi32, #tpu.memory_space<hbm>> -> memref<1x2000xi32, #tpu.memory_space<hbm>>
      %dma_start3A_137 = tpu.memref_squeeze %dma_start3A_136 : memref<1x2000xi32, #tpu.memory_space<hbm>> -> memref<2000xi32, #tpu.memory_space<hbm>>
      tpu.enqueue_dma source(%dma_start3A_137 : memref<2000xi32, #tpu.memory_space<hbm>>) target(%arg8 : memref<2000xi32, #tpu.memory_space<vmem>>) target_semaphore(%run_scoped3A : memref<!tpu.dma_semaphore, #tpu.memory_space<semaphore_mem>>)
      %dma_wait3A_138 = arith.constant 0 : i32
      %dma_wait3A_139 = tpu.memref_slice %arg3[%add3A_11, %dma_wait3A_138] : memref<160x2000xi32, #tpu.memory_space<hbm>> -> memref<1x2000xi32, #tpu.memory_space<hbm>>
      %dma_wait3A_140 = tpu.memref_squeeze %dma_wait3A_139 : memref<1x2000xi32, #tpu.memory_space<hbm>> -> memref<2000xi32, #tpu.memory_space<hbm>>
      %dma_wait3A_141 = arith.constant 0 : i32
      %dma_wait3A_142 = tpu.memref_slice %arg3[%add3A_11, %dma_wait3A_141] : memref<160x2000xi32, #tpu.memory_space<hbm>> -> memref<1x2000xi32, #tpu.memory_space<hbm>>
      %dma_wait3A_143 = tpu.memref_squeeze %dma_wait3A_142 : memref<1x2000xi32, #tpu.memory_space<hbm>> -> memref<2000xi32, #tpu.memory_space<hbm>>
      tpu.wait_dma2 semaphore(%run_scoped3A : memref<!tpu.dma_semaphore, #tpu.memory_space<semaphore_mem>>) src(%dma_wait3A_143 : memref<2000xi32, #tpu.memory_space<hbm>>) dst(%arg8 : memref<2000xi32, #tpu.memory_space<vmem>>)
      tpu.yield
    }) : () -> ()
    %mul3A_12 = arith.constant 5 : i32
    %mul3A_13 = arith.muli %add3A, %mul3A_12 : i32
    %add3A_14 = arith.constant 1 : i32
    %add3A_15 = arith.addi %mul3A_13, %add3A_14 : i32
    "tpu.region"() ({
      %run_scoped3A = tpu.sem_alloc : memref<!tpu.dma_semaphore, #tpu.memory_space<semaphore_mem>>
      %dma_start3A_132 = arith.constant 0 : i32
      %dma_start3A_133 = tpu.memref_slice %arg3[%add3A_15, %dma_start3A_132] : memref<160x2000xi32, #tpu.memory_space<hbm>> -> memref<1x2000xi32, #tpu.memory_space<hbm>>
      %dma_start3A_134 = tpu.memref_squeeze %dma_start3A_133 : memref<1x2000xi32, #tpu.memory_space<hbm>> -> memref<2000xi32, #tpu.memory_space<hbm>>
      %dma_start3A_135 = arith.constant 0 : i32
      %dma_start3A_136 = tpu.memref_slice %arg3[%add3A_15, %dma_start3A_135] : memref<160x2000xi32, #tpu.memory_space<hbm>> -> memref<1x2000xi32, #tpu.memory_space<hbm>>
      %dma_start3A_137 = tpu.memref_squeeze %dma_start3A_136 : memref<1x2000xi32, #tpu.memory_space<hbm>> -> memref<2000xi32, #tpu.memory_space<hbm>>
      tpu.enqueue_dma source(%dma_start3A_137 : memref<2000xi32, #tpu.memory_space<hbm>>) target(%arg9 : memref<2000xi32, #tpu.memory_space<vmem>>) target_semaphore(%run_scoped3A : memref<!tpu.dma_semaphore, #tpu.memory_space<semaphore_mem>>)
      %dma_wait3A_138 = arith.constant 0 : i32
      %dma_wait3A_139 = tpu.memref_slice %arg3[%add3A_15, %dma_wait3A_138] : memref<160x2000xi32, #tpu.memory_space<hbm>> -> memref<1x2000xi32, #tpu.memory_space<hbm>>
      %dma_wait3A_140 = tpu.memref_squeeze %dma_wait3A_139 : memref<1x2000xi32, #tpu.memory_space<hbm>> -> memref<2000xi32, #tpu.memory_space<hbm>>
      %dma_wait3A_141 = arith.constant 0 : i32
      %dma_wait3A_142 = tpu.memref_slice %arg3[%add3A_15, %dma_wait3A_141] : memref<160x2000xi32, #tpu.memory_space<hbm>> -> memref<1x2000xi32, #tpu.memory_space<hbm>>
      %dma_wait3A_143 = tpu.memref_squeeze %dma_wait3A_142 : memref<1x2000xi32, #tpu.memory_space<hbm>> -> memref<2000xi32, #tpu.memory_space<hbm>>
      tpu.wait_dma2 semaphore(%run_scoped3A : memref<!tpu.dma_semaphore, #tpu.memory_space<semaphore_mem>>) src(%dma_wait3A_143 : memref<2000xi32, #tpu.memory_space<hbm>>) dst(%arg9 : memref<2000xi32, #tpu.memory_space<vmem>>)
      tpu.yield
    }) : () -> ()
    %mul3A_16 = arith.constant 5 : i32
    %mul3A_17 = arith.muli %add3A, %mul3A_16 : i32
    %add3A_18 = arith.constant 2 : i32
    %add3A_19 = arith.addi %mul3A_17, %add3A_18 : i32
    "tpu.region"() ({
      %run_scoped3A = tpu.sem_alloc : memref<!tpu.dma_semaphore, #tpu.memory_space<semaphore_mem>>
      %dma_start3A_132 = arith.constant 0 : i32
      %dma_start3A_133 = tpu.memref_slice %arg3[%add3A_19, %dma_start3A_132] : memref<160x2000xi32, #tpu.memory_space<hbm>> -> memref<1x2000xi32, #tpu.memory_space<hbm>>
      %dma_start3A_134 = tpu.memref_squeeze %dma_start3A_133 : memref<1x2000xi32, #tpu.memory_space<hbm>> -> memref<2000xi32, #tpu.memory_space<hbm>>
      %dma_start3A_135 = arith.constant 0 : i32
      %dma_start3A_136 = tpu.memref_slice %arg3[%add3A_19, %dma_start3A_135] : memref<160x2000xi32, #tpu.memory_space<hbm>> -> memref<1x2000xi32, #tpu.memory_space<hbm>>
      %dma_start3A_137 = tpu.memref_squeeze %dma_start3A_136 : memref<1x2000xi32, #tpu.memory_space<hbm>> -> memref<2000xi32, #tpu.memory_space<hbm>>
      tpu.enqueue_dma source(%dma_start3A_137 : memref<2000xi32, #tpu.memory_space<hbm>>) target(%arg10 : memref<2000xi32, #tpu.memory_space<vmem>>) target_semaphore(%run_scoped3A : memref<!tpu.dma_semaphore, #tpu.memory_space<semaphore_mem>>)
      %dma_wait3A_138 = arith.constant 0 : i32
      %dma_wait3A_139 = tpu.memref_slice %arg3[%add3A_19, %dma_wait3A_138] : memref<160x2000xi32, #tpu.memory_space<hbm>> -> memref<1x2000xi32, #tpu.memory_space<hbm>>
      %dma_wait3A_140 = tpu.memref_squeeze %dma_wait3A_139 : memref<1x2000xi32, #tpu.memory_space<hbm>> -> memref<2000xi32, #tpu.memory_space<hbm>>
      %dma_wait3A_141 = arith.constant 0 : i32
      %dma_wait3A_142 = tpu.memref_slice %arg3[%add3A_19, %dma_wait3A_141] : memref<160x2000xi32, #tpu.memory_space<hbm>> -> memref<1x2000xi32, #tpu.memory_space<hbm>>
      %dma_wait3A_143 = tpu.memref_squeeze %dma_wait3A_142 : memref<1x2000xi32, #tpu.memory_space<hbm>> -> memref<2000xi32, #tpu.memory_space<hbm>>
      tpu.wait_dma2 semaphore(%run_scoped3A : memref<!tpu.dma_semaphore, #tpu.memory_space<semaphore_mem>>) src(%dma_wait3A_143 : memref<2000xi32, #tpu.memory_space<hbm>>) dst(%arg10 : memref<2000xi32, #tpu.memory_space<vmem>>)
      tpu.yield
    }) : () -> ()
    %mul3A_20 = arith.constant 5 : i32
    %mul3A_21 = arith.muli %add3A, %mul3A_20 : i32
    %add3A_22 = arith.constant 3 : i32
    %add3A_23 = arith.addi %mul3A_21, %add3A_22 : i32
    "tpu.region"() ({
      %run_scoped3A = tpu.sem_alloc : memref<!tpu.dma_semaphore, #tpu.memory_space<semaphore_mem>>
      %dma_start3A_132 = arith.constant 0 : i32
      %dma_start3A_133 = tpu.memref_slice %arg3[%add3A_23, %dma_start3A_132] : memref<160x2000xi32, #tpu.memory_space<hbm>> -> memref<1x2000xi32, #tpu.memory_space<hbm>>
      %dma_start3A_134 = tpu.memref_squeeze %dma_start3A_133 : memref<1x2000xi32, #tpu.memory_space<hbm>> -> memref<2000xi32, #tpu.memory_space<hbm>>
      %dma_start3A_135 = arith.constant 0 : i32
      %dma_start3A_136 = tpu.memref_slice %arg3[%add3A_23, %dma_start3A_135] : memref<160x2000xi32, #tpu.memory_space<hbm>> -> memref<1x2000xi32, #tpu.memory_space<hbm>>
      %dma_start3A_137 = tpu.memref_squeeze %dma_start3A_136 : memref<1x2000xi32, #tpu.memory_space<hbm>> -> memref<2000xi32, #tpu.memory_space<hbm>>
      tpu.enqueue_dma source(%dma_start3A_137 : memref<2000xi32, #tpu.memory_space<hbm>>) target(%arg11 : memref<2000xi32, #tpu.memory_space<vmem>>) target_semaphore(%run_scoped3A : memref<!tpu.dma_semaphore, #tpu.memory_space<semaphore_mem>>)
      %dma_wait3A_138 = arith.constant 0 : i32
      %dma_wait3A_139 = tpu.memref_slice %arg3[%add3A_23, %dma_wait3A_138] : memref<160x2000xi32, #tpu.memory_space<hbm>> -> memref<1x2000xi32, #tpu.memory_space<hbm>>
      %dma_wait3A_140 = tpu.memref_squeeze %dma_wait3A_139 : memref<1x2000xi32, #tpu.memory_space<hbm>> -> memref<2000xi32, #tpu.memory_space<hbm>>
      %dma_wait3A_141 = arith.constant 0 : i32
      %dma_wait3A_142 = tpu.memref_slice %arg3[%add3A_23, %dma_wait3A_141] : memref<160x2000xi32, #tpu.memory_space<hbm>> -> memref<1x2000xi32, #tpu.memory_space<hbm>>
      %dma_wait3A_143 = tpu.memref_squeeze %dma_wait3A_142 : memref<1x2000xi32, #tpu.memory_space<hbm>> -> memref<2000xi32, #tpu.memory_space<hbm>>
      tpu.wait_dma2 semaphore(%run_scoped3A : memref<!tpu.dma_semaphore, #tpu.memory_space<semaphore_mem>>) src(%dma_wait3A_143 : memref<2000xi32, #tpu.memory_space<hbm>>) dst(%arg11 : memref<2000xi32, #tpu.memory_space<vmem>>)
      tpu.yield
    }) : () -> ()
    %mul3A_24 = arith.constant 5 : i32
    %mul3A_25 = arith.muli %add3A, %mul3A_24 : i32
    %add3A_26 = arith.constant 4 : i32
    %add3A_27 = arith.addi %mul3A_25, %add3A_26 : i32
    "tpu.region"() ({
      %run_scoped3A = tpu.sem_alloc : memref<!tpu.dma_semaphore, #tpu.memory_space<semaphore_mem>>
      %dma_start3A_132 = arith.constant 0 : i32
      %dma_start3A_133 = tpu.memref_slice %arg3[%add3A_27, %dma_start3A_132] : memref<160x2000xi32, #tpu.memory_space<hbm>> -> memref<1x2000xi32, #tpu.memory_space<hbm>>
      %dma_start3A_134 = tpu.memref_squeeze %dma_start3A_133 : memref<1x2000xi32, #tpu.memory_space<hbm>> -> memref<2000xi32, #tpu.memory_space<hbm>>
      %dma_start3A_135 = arith.constant 0 : i32
      %dma_start3A_136 = tpu.memref_slice %arg3[%add3A_27, %dma_start3A_135] : memref<160x2000xi32, #tpu.memory_space<hbm>> -> memref<1x2000xi32, #tpu.memory_space<hbm>>
      %dma_start3A_137 = tpu.memref_squeeze %dma_start3A_136 : memref<1x2000xi32, #tpu.memory_space<hbm>> -> memref<2000xi32, #tpu.memory_space<hbm>>
      tpu.enqueue_dma source(%dma_start3A_137 : memref<2000xi32, #tpu.memory_space<hbm>>) target(%arg12 : memref<2000xi32, #tpu.memory_space<vmem>>) target_semaphore(%run_scoped3A : memref<!tpu.dma_semaphore, #tpu.memory_space<semaphore_mem>>)
      %dma_wait3A_138 = arith.constant 0 : i32
      %dma_wait3A_139 = tpu.memref_slice %arg3[%add3A_27, %dma_wait3A_138] : memref<160x2000xi32, #tpu.memory_space<hbm>> -> memref<1x2000xi32, #tpu.memory_space<hbm>>
      %dma_wait3A_140 = tpu.memref_squeeze %dma_wait3A_139 : memref<1x2000xi32, #tpu.memory_space<hbm>> -> memref<2000xi32, #tpu.memory_space<hbm>>
      %dma_wait3A_141 = arith.constant 0 : i32
      %dma_wait3A_142 = tpu.memref_slice %arg3[%add3A_27, %dma_wait3A_141] : memref<160x2000xi32, #tpu.memory_space<hbm>> -> memref<1x2000xi32, #tpu.memory_space<hbm>>
      %dma_wait3A_143 = tpu.memref_squeeze %dma_wait3A_142 : memref<1x2000xi32, #tpu.memory_space<hbm>> -> memref<2000xi32, #tpu.memory_space<hbm>>
      tpu.wait_dma2 semaphore(%run_scoped3A : memref<!tpu.dma_semaphore, #tpu.memory_space<semaphore_mem>>) src(%dma_wait3A_143 : memref<2000xi32, #tpu.memory_space<hbm>>) dst(%arg12 : memref<2000xi32, #tpu.memory_space<vmem>>)
      tpu.yield
    }) : () -> ()
    %barrier3A = arith.constant 0 : index
    tpu.barrier barrier_id(%barrier3A)
    %dma_start3A = arith.constant 0 : i32
    %dma_start3A_28 = tpu.memref_slice %arg13[%dma_start3A] : memref<10000xf32, #tpu.memory_space<vmem>> -> memref<2000xf32, #tpu.memory_space<vmem>>
    %dma_start3A_29 = arith.constant 0 : i32
    %dma_start3A_30 = tpu.memref_slice %arg7[%dma_start3A_29] : memref<10000xi32, #tpu.memory_space<vmem>> -> memref<2000xi32, #tpu.memory_space<vmem>>
    %dma_start3A_31 = arith.constant 0 : i32
    %dma_start3A_32 = tpu.memref_slice %arg15[%dma_start3A_31] : memref<10000xf32, #tpu.memory_space<vmem_shared>> -> memref<10000xf32, #tpu.memory_space<vmem_shared>>
    tpu.enqueue_indirect_dma source(%dma_start3A_32 : memref<10000xf32, #tpu.memory_space<vmem_shared>>) target(%dma_start3A_28 : memref<2000xf32, #tpu.memory_space<vmem>>) offsets(%dma_start3A_30 : memref<2000xi32, #tpu.memory_space<vmem>>) semaphore(%arg16 : memref<!tpu.dma_semaphore, #tpu.memory_space<semaphore_mem>>)
    %dma_wait3A = arith.constant 0 : i32
    %dma_wait3A_33 = tpu.memref_slice %arg13[%dma_wait3A] : memref<10000xf32, #tpu.memory_space<vmem>> -> memref<2000xf32, #tpu.memory_space<vmem>>
    %dma_wait3A_34 = arith.constant 0 : i32
    %dma_wait3A_35 = tpu.memref_slice %arg7[%dma_wait3A_34] : memref<10000xi32, #tpu.memory_space<vmem>> -> memref<2000xi32, #tpu.memory_space<vmem>>
    %dma_wait3A_36 = arith.constant 0 : i32
    %dma_wait3A_37 = tpu.memref_slice %arg15[%dma_wait3A_36] : memref<10000xf32, #tpu.memory_space<vmem_shared>> -> memref<10000xf32, #tpu.memory_space<vmem_shared>>
    tpu.wait_indirect_dma semaphore(%arg16 : memref<!tpu.dma_semaphore, #tpu.memory_space<semaphore_mem>>) src(%dma_wait3A_37 : memref<10000xf32, #tpu.memory_space<vmem_shared>>) dst(%dma_wait3A_33 : memref<2000xf32, #tpu.memory_space<vmem>>)
    %dma_start3A_38 = arith.constant 2000 : i32
    %dma_start3A_39 = tpu.memref_slice %arg13[%dma_start3A_38] : memref<10000xf32, #tpu.memory_space<vmem>> -> memref<2000xf32, #tpu.memory_space<vmem>>
    %dma_start3A_40 = arith.constant 2000 : i32
    %dma_start3A_41 = tpu.memref_slice %arg7[%dma_start3A_40] : memref<10000xi32, #tpu.memory_space<vmem>> -> memref<2000xi32, #tpu.memory_space<vmem>>
    %dma_start3A_42 = arith.constant 0 : i32
    %dma_start3A_43 = tpu.memref_slice %arg15[%dma_start3A_42] : memref<10000xf32, #tpu.memory_space<vmem_shared>> -> memref<10000xf32, #tpu.memory_space<vmem_shared>>
    tpu.enqueue_indirect_dma source(%dma_start3A_43 : memref<10000xf32, #tpu.memory_space<vmem_shared>>) target(%dma_start3A_39 : memref<2000xf32, #tpu.memory_space<vmem>>) offsets(%dma_start3A_41 : memref<2000xi32, #tpu.memory_space<vmem>>) semaphore(%arg16 : memref<!tpu.dma_semaphore, #tpu.memory_space<semaphore_mem>>)
    %dma_start3A_44 = arith.constant 0 : i32
    %dma_start3A_45 = tpu.memref_slice %arg13[%dma_start3A_44] : memref<10000xf32, #tpu.memory_space<vmem>> -> memref<2000xf32, #tpu.memory_space<vmem>>
    %dma_start3A_46 = arith.constant 0 : i32
    %dma_start3A_47 = tpu.memref_slice %arg14[%dma_start3A_46] : memref<10000xf32, #tpu.memory_space<vmem_shared>> -> memref<10000xf32, #tpu.memory_space<vmem_shared>>
    tpu.enqueue_indirect_dma source(%dma_start3A_45 : memref<2000xf32, #tpu.memory_space<vmem>>) target(%dma_start3A_47 : memref<10000xf32, #tpu.memory_space<vmem_shared>>) offsets(%arg8 : memref<2000xi32, #tpu.memory_space<vmem>>) semaphore(%arg17 : memref<!tpu.dma_semaphore, #tpu.memory_space<semaphore_mem>>) {add = true}
    %dma_wait3A_48 = arith.constant 2000 : i32
    %dma_wait3A_49 = tpu.memref_slice %arg13[%dma_wait3A_48] : memref<10000xf32, #tpu.memory_space<vmem>> -> memref<2000xf32, #tpu.memory_space<vmem>>
    %dma_wait3A_50 = arith.constant 2000 : i32
    %dma_wait3A_51 = tpu.memref_slice %arg7[%dma_wait3A_50] : memref<10000xi32, #tpu.memory_space<vmem>> -> memref<2000xi32, #tpu.memory_space<vmem>>
    %dma_wait3A_52 = arith.constant 0 : i32
    %dma_wait3A_53 = tpu.memref_slice %arg15[%dma_wait3A_52] : memref<10000xf32, #tpu.memory_space<vmem_shared>> -> memref<10000xf32, #tpu.memory_space<vmem_shared>>
    tpu.wait_indirect_dma semaphore(%arg16 : memref<!tpu.dma_semaphore, #tpu.memory_space<semaphore_mem>>) src(%dma_wait3A_53 : memref<10000xf32, #tpu.memory_space<vmem_shared>>) dst(%dma_wait3A_49 : memref<2000xf32, #tpu.memory_space<vmem>>)
    %dma_start3A_54 = arith.constant 4000 : i32
    %dma_start3A_55 = tpu.memref_slice %arg13[%dma_start3A_54] : memref<10000xf32, #tpu.memory_space<vmem>> -> memref<2000xf32, #tpu.memory_space<vmem>>
    %dma_start3A_56 = arith.constant 4000 : i32
    %dma_start3A_57 = tpu.memref_slice %arg7[%dma_start3A_56] : memref<10000xi32, #tpu.memory_space<vmem>> -> memref<2000xi32, #tpu.memory_space<vmem>>
    %dma_start3A_58 = arith.constant 0 : i32
    %dma_start3A_59 = tpu.memref_slice %arg15[%dma_start3A_58] : memref<10000xf32, #tpu.memory_space<vmem_shared>> -> memref<10000xf32, #tpu.memory_space<vmem_shared>>
    tpu.enqueue_indirect_dma source(%dma_start3A_59 : memref<10000xf32, #tpu.memory_space<vmem_shared>>) target(%dma_start3A_55 : memref<2000xf32, #tpu.memory_space<vmem>>) offsets(%dma_start3A_57 : memref<2000xi32, #tpu.memory_space<vmem>>) semaphore(%arg16 : memref<!tpu.dma_semaphore, #tpu.memory_space<semaphore_mem>>)
    %dma_wait3A_60 = arith.constant 0 : i32
    %dma_wait3A_61 = tpu.memref_slice %arg13[%dma_wait3A_60] : memref<10000xf32, #tpu.memory_space<vmem>> -> memref<2000xf32, #tpu.memory_space<vmem>>
    %dma_wait3A_62 = arith.constant 0 : i32
    %dma_wait3A_63 = tpu.memref_slice %arg14[%dma_wait3A_62] : memref<10000xf32, #tpu.memory_space<vmem_shared>> -> memref<10000xf32, #tpu.memory_space<vmem_shared>>
    tpu.wait_indirect_dma semaphore(%arg17 : memref<!tpu.dma_semaphore, #tpu.memory_space<semaphore_mem>>) src(%dma_wait3A_61 : memref<2000xf32, #tpu.memory_space<vmem>>) dst(%dma_wait3A_63 : memref<10000xf32, #tpu.memory_space<vmem_shared>>)
    %dma_start3A_64 = arith.constant 2000 : i32
    %dma_start3A_65 = tpu.memref_slice %arg13[%dma_start3A_64] : memref<10000xf32, #tpu.memory_space<vmem>> -> memref<2000xf32, #tpu.memory_space<vmem>>
    %dma_start3A_66 = arith.constant 0 : i32
    %dma_start3A_67 = tpu.memref_slice %arg14[%dma_start3A_66] : memref<10000xf32, #tpu.memory_space<vmem_shared>> -> memref<10000xf32, #tpu.memory_space<vmem_shared>>
    tpu.enqueue_indirect_dma source(%dma_start3A_65 : memref<2000xf32, #tpu.memory_space<vmem>>) target(%dma_start3A_67 : memref<10000xf32, #tpu.memory_space<vmem_shared>>) offsets(%arg9 : memref<2000xi32, #tpu.memory_space<vmem>>) semaphore(%arg17 : memref<!tpu.dma_semaphore, #tpu.memory_space<semaphore_mem>>) {add = true}
    %dma_wait3A_68 = arith.constant 4000 : i32
    %dma_wait3A_69 = tpu.memref_slice %arg13[%dma_wait3A_68] : memref<10000xf32, #tpu.memory_space<vmem>> -> memref<2000xf32, #tpu.memory_space<vmem>>
    %dma_wait3A_70 = arith.constant 4000 : i32
    %dma_wait3A_71 = tpu.memref_slice %arg7[%dma_wait3A_70] : memref<10000xi32, #tpu.memory_space<vmem>> -> memref<2000xi32, #tpu.memory_space<vmem>>
    %dma_wait3A_72 = arith.constant 0 : i32
    %dma_wait3A_73 = tpu.memref_slice %arg15[%dma_wait3A_72] : memref<10000xf32, #tpu.memory_space<vmem_shared>> -> memref<10000xf32, #tpu.memory_space<vmem_shared>>
    tpu.wait_indirect_dma semaphore(%arg16 : memref<!tpu.dma_semaphore, #tpu.memory_space<semaphore_mem>>) src(%dma_wait3A_73 : memref<10000xf32, #tpu.memory_space<vmem_shared>>) dst(%dma_wait3A_69 : memref<2000xf32, #tpu.memory_space<vmem>>)
    %dma_start3A_74 = arith.constant 6000 : i32
    %dma_start3A_75 = tpu.memref_slice %arg13[%dma_start3A_74] : memref<10000xf32, #tpu.memory_space<vmem>> -> memref<2000xf32, #tpu.memory_space<vmem>>
    %dma_start3A_76 = arith.constant 6000 : i32
    %dma_start3A_77 = tpu.memref_slice %arg7[%dma_start3A_76] : memref<10000xi32, #tpu.memory_space<vmem>> -> memref<2000xi32, #tpu.memory_space<vmem>>
    %dma_start3A_78 = arith.constant 0 : i32
    %dma_start3A_79 = tpu.memref_slice %arg15[%dma_start3A_78] : memref<10000xf32, #tpu.memory_space<vmem_shared>> -> memref<10000xf32, #tpu.memory_space<vmem_shared>>
    tpu.enqueue_indirect_dma source(%dma_start3A_79 : memref<10000xf32, #tpu.memory_space<vmem_shared>>) target(%dma_start3A_75 : memref<2000xf32, #tpu.memory_space<vmem>>) offsets(%dma_start3A_77 : memref<2000xi32, #tpu.memory_space<vmem>>) semaphore(%arg16 : memref<!tpu.dma_semaphore, #tpu.memory_space<semaphore_mem>>)
    %dma_wait3A_80 = arith.constant 2000 : i32
    %dma_wait3A_81 = tpu.memref_slice %arg13[%dma_wait3A_80] : memref<10000xf32, #tpu.memory_space<vmem>> -> memref<2000xf32, #tpu.memory_space<vmem>>
    %dma_wait3A_82 = arith.constant 0 : i32
    %dma_wait3A_83 = tpu.memref_slice %arg14[%dma_wait3A_82] : memref<10000xf32, #tpu.memory_space<vmem_shared>> -> memref<10000xf32, #tpu.memory_space<vmem_shared>>
    tpu.wait_indirect_dma semaphore(%arg17 : memref<!tpu.dma_semaphore, #tpu.memory_space<semaphore_mem>>) src(%dma_wait3A_81 : memref<2000xf32, #tpu.memory_space<vmem>>) dst(%dma_wait3A_83 : memref<10000xf32, #tpu.memory_space<vmem_shared>>)
    %dma_start3A_84 = arith.constant 4000 : i32
    %dma_start3A_85 = tpu.memref_slice %arg13[%dma_start3A_84] : memref<10000xf32, #tpu.memory_space<vmem>> -> memref<2000xf32, #tpu.memory_space<vmem>>
    %dma_start3A_86 = arith.constant 0 : i32
    %dma_start3A_87 = tpu.memref_slice %arg14[%dma_start3A_86] : memref<10000xf32, #tpu.memory_space<vmem_shared>> -> memref<10000xf32, #tpu.memory_space<vmem_shared>>
    tpu.enqueue_indirect_dma source(%dma_start3A_85 : memref<2000xf32, #tpu.memory_space<vmem>>) target(%dma_start3A_87 : memref<10000xf32, #tpu.memory_space<vmem_shared>>) offsets(%arg10 : memref<2000xi32, #tpu.memory_space<vmem>>) semaphore(%arg17 : memref<!tpu.dma_semaphore, #tpu.memory_space<semaphore_mem>>) {add = true}
    %dma_wait3A_88 = arith.constant 6000 : i32
    %dma_wait3A_89 = tpu.memref_slice %arg13[%dma_wait3A_88] : memref<10000xf32, #tpu.memory_space<vmem>> -> memref<2000xf32, #tpu.memory_space<vmem>>
    %dma_wait3A_90 = arith.constant 6000 : i32
    %dma_wait3A_91 = tpu.memref_slice %arg7[%dma_wait3A_90] : memref<10000xi32, #tpu.memory_space<vmem>> -> memref<2000xi32, #tpu.memory_space<vmem>>
    %dma_wait3A_92 = arith.constant 0 : i32
    %dma_wait3A_93 = tpu.memref_slice %arg15[%dma_wait3A_92] : memref<10000xf32, #tpu.memory_space<vmem_shared>> -> memref<10000xf32, #tpu.memory_space<vmem_shared>>
    tpu.wait_indirect_dma semaphore(%arg16 : memref<!tpu.dma_semaphore, #tpu.memory_space<semaphore_mem>>) src(%dma_wait3A_93 : memref<10000xf32, #tpu.memory_space<vmem_shared>>) dst(%dma_wait3A_89 : memref<2000xf32, #tpu.memory_space<vmem>>)
    %dma_start3A_94 = arith.constant 8000 : i32
    %dma_start3A_95 = tpu.memref_slice %arg13[%dma_start3A_94] : memref<10000xf32, #tpu.memory_space<vmem>> -> memref<2000xf32, #tpu.memory_space<vmem>>
    %dma_start3A_96 = arith.constant 8000 : i32
    %dma_start3A_97 = tpu.memref_slice %arg7[%dma_start3A_96] : memref<10000xi32, #tpu.memory_space<vmem>> -> memref<2000xi32, #tpu.memory_space<vmem>>
    %dma_start3A_98 = arith.constant 0 : i32
    %dma_start3A_99 = tpu.memref_slice %arg15[%dma_start3A_98] : memref<10000xf32, #tpu.memory_space<vmem_shared>> -> memref<10000xf32, #tpu.memory_space<vmem_shared>>
    tpu.enqueue_indirect_dma source(%dma_start3A_99 : memref<10000xf32, #tpu.memory_space<vmem_shared>>) target(%dma_start3A_95 : memref<2000xf32, #tpu.memory_space<vmem>>) offsets(%dma_start3A_97 : memref<2000xi32, #tpu.memory_space<vmem>>) semaphore(%arg16 : memref<!tpu.dma_semaphore, #tpu.memory_space<semaphore_mem>>)
    %dma_wait3A_100 = arith.constant 4000 : i32
    %dma_wait3A_101 = tpu.memref_slice %arg13[%dma_wait3A_100] : memref<10000xf32, #tpu.memory_space<vmem>> -> memref<2000xf32, #tpu.memory_space<vmem>>
    %dma_wait3A_102 = arith.constant 0 : i32
    %dma_wait3A_103 = tpu.memref_slice %arg14[%dma_wait3A_102] : memref<10000xf32, #tpu.memory_space<vmem_shared>> -> memref<10000xf32, #tpu.memory_space<vmem_shared>>
    tpu.wait_indirect_dma semaphore(%arg17 : memref<!tpu.dma_semaphore, #tpu.memory_space<semaphore_mem>>) src(%dma_wait3A_101 : memref<2000xf32, #tpu.memory_space<vmem>>) dst(%dma_wait3A_103 : memref<10000xf32, #tpu.memory_space<vmem_shared>>)
    %dma_start3A_104 = arith.constant 6000 : i32
    %dma_start3A_105 = tpu.memref_slice %arg13[%dma_start3A_104] : memref<10000xf32, #tpu.memory_space<vmem>> -> memref<2000xf32, #tpu.memory_space<vmem>>
    %dma_start3A_106 = arith.constant 0 : i32
    %dma_start3A_107 = tpu.memref_slice %arg14[%dma_start3A_106] : memref<10000xf32, #tpu.memory_space<vmem_shared>> -> memref<10000xf32, #tpu.memory_space<vmem_shared>>
    tpu.enqueue_indirect_dma source(%dma_start3A_105 : memref<2000xf32, #tpu.memory_space<vmem>>) target(%dma_start3A_107 : memref<10000xf32, #tpu.memory_space<vmem_shared>>) offsets(%arg11 : memref<2000xi32, #tpu.memory_space<vmem>>) semaphore(%arg17 : memref<!tpu.dma_semaphore, #tpu.memory_space<semaphore_mem>>) {add = true}
    %dma_wait3A_108 = arith.constant 8000 : i32
    %dma_wait3A_109 = tpu.memref_slice %arg13[%dma_wait3A_108] : memref<10000xf32, #tpu.memory_space<vmem>> -> memref<2000xf32, #tpu.memory_space<vmem>>
    %dma_wait3A_110 = arith.constant 8000 : i32
    %dma_wait3A_111 = tpu.memref_slice %arg7[%dma_wait3A_110] : memref<10000xi32, #tpu.memory_space<vmem>> -> memref<2000xi32, #tpu.memory_space<vmem>>
    %dma_wait3A_112 = arith.constant 0 : i32
    %dma_wait3A_113 = tpu.memref_slice %arg15[%dma_wait3A_112] : memref<10000xf32, #tpu.memory_space<vmem_shared>> -> memref<10000xf32, #tpu.memory_space<vmem_shared>>
    tpu.wait_indirect_dma semaphore(%arg16 : memref<!tpu.dma_semaphore, #tpu.memory_space<semaphore_mem>>) src(%dma_wait3A_113 : memref<10000xf32, #tpu.memory_space<vmem_shared>>) dst(%dma_wait3A_109 : memref<2000xf32, #tpu.memory_space<vmem>>)
    %dma_wait3A_114 = arith.constant 6000 : i32
    %dma_wait3A_115 = tpu.memref_slice %arg13[%dma_wait3A_114] : memref<10000xf32, #tpu.memory_space<vmem>> -> memref<2000xf32, #tpu.memory_space<vmem>>
    %dma_wait3A_116 = arith.constant 0 : i32
    %dma_wait3A_117 = tpu.memref_slice %arg14[%dma_wait3A_116] : memref<10000xf32, #tpu.memory_space<vmem_shared>> -> memref<10000xf32, #tpu.memory_space<vmem_shared>>
    tpu.wait_indirect_dma semaphore(%arg17 : memref<!tpu.dma_semaphore, #tpu.memory_space<semaphore_mem>>) src(%dma_wait3A_115 : memref<2000xf32, #tpu.memory_space<vmem>>) dst(%dma_wait3A_117 : memref<10000xf32, #tpu.memory_space<vmem_shared>>)
    %dma_start3A_118 = arith.constant 8000 : i32
    %dma_start3A_119 = tpu.memref_slice %arg13[%dma_start3A_118] : memref<10000xf32, #tpu.memory_space<vmem>> -> memref<2000xf32, #tpu.memory_space<vmem>>
    %dma_start3A_120 = arith.constant 0 : i32
    %dma_start3A_121 = tpu.memref_slice %arg14[%dma_start3A_120] : memref<10000xf32, #tpu.memory_space<vmem_shared>> -> memref<10000xf32, #tpu.memory_space<vmem_shared>>
    tpu.enqueue_indirect_dma source(%dma_start3A_119 : memref<2000xf32, #tpu.memory_space<vmem>>) target(%dma_start3A_121 : memref<10000xf32, #tpu.memory_space<vmem_shared>>) offsets(%arg12 : memref<2000xi32, #tpu.memory_space<vmem>>) semaphore(%arg17 : memref<!tpu.dma_semaphore, #tpu.memory_space<semaphore_mem>>) {add = true}
    %dma_wait3A_122 = arith.constant 8000 : i32
    %dma_wait3A_123 = tpu.memref_slice %arg13[%dma_wait3A_122] : memref<10000xf32, #tpu.memory_space<vmem>> -> memref<2000xf32, #tpu.memory_space<vmem>>
    %dma_wait3A_124 = arith.constant 0 : i32
    %dma_wait3A_125 = tpu.memref_slice %arg14[%dma_wait3A_124] : memref<10000xf32, #tpu.memory_space<vmem_shared>> -> memref<10000xf32, #tpu.memory_space<vmem_shared>>
    tpu.wait_indirect_dma semaphore(%arg17 : memref<!tpu.dma_semaphore, #tpu.memory_space<semaphore_mem>>) src(%dma_wait3A_123 : memref<2000xf32, #tpu.memory_space<vmem>>) dst(%dma_wait3A_125 : memref<10000xf32, #tpu.memory_space<vmem_shared>>)
    %barrier3A_126 = arith.constant 0 : index
    tpu.barrier barrier_id(%barrier3A_126)
    %eq3A_127 = arith.constant 0 : i32
    %eq3A_128 = arith.cmpi eq, %arg1, %eq3A_127 : i32
    %convert_element_type3A_129 = arith.extui %eq3A_128 : i1 to i32
    %cond3A_130 = arith.constant 0 : i32
    %cond3A_131 = arith.cmpi ne, %convert_element_type3A_129, %cond3A_130 : i32
    scf.if %cond3A_131 {
      "tpu.region"() ({
        %run_scoped3A = tpu.sem_alloc : memref<!tpu.dma_semaphore, #tpu.memory_space<semaphore_mem>>
        %dma_start3A_132 = arith.constant 0 : i32
        %dma_start3A_133 = tpu.memref_slice %arg6[%arg0, %dma_start3A_132] : memref<2x10000xf32, #tpu.memory_space<hbm>> -> memref<1x10000xf32, #tpu.memory_space<hbm>>
        %dma_start3A_134 = tpu.memref_squeeze %dma_start3A_133 : memref<1x10000xf32, #tpu.memory_space<hbm>> -> memref<10000xf32, #tpu.memory_space<hbm>>
        tpu.enqueue_dma source(%arg14 : memref<10000xf32, #tpu.memory_space<vmem_shared>>) target(%dma_start3A_134 : memref<10000xf32, #tpu.memory_space<hbm>>) target_semaphore(%run_scoped3A : memref<!tpu.dma_semaphore, #tpu.memory_space<semaphore_mem>>)
        %dma_wait3A_135 = arith.constant 0 : i32
        %dma_wait3A_136 = tpu.memref_slice %arg6[%arg0, %dma_wait3A_135] : memref<2x10000xf32, #tpu.memory_space<hbm>> -> memref<1x10000xf32, #tpu.memory_space<hbm>>
        %dma_wait3A_137 = tpu.memref_squeeze %dma_wait3A_136 : memref<1x10000xf32, #tpu.memory_space<hbm>> -> memref<10000xf32, #tpu.memory_space<hbm>>
        tpu.wait_dma2 semaphore(%run_scoped3A : memref<!tpu.dma_semaphore, #tpu.memory_space<semaphore_mem>>) src(%arg14 : memref<10000xf32, #tpu.memory_space<vmem_shared>>) dst(%dma_wait3A_137 : memref<10000xf32, #tpu.memory_space<hbm>>)
        tpu.yield
      }) : () -> ()
    } else {
    }
    return
  }
}

module attributes {stable_mosaic.version = 14 : i64} {
  func.func @_k1_body(%arg0: memref<10000x128xf32, #tpu.memory_space<vmem>>, %arg1: memref<128x128xf32, #tpu.memory_space<vmem>>, %arg2: memref<128x1xf32, #tpu.memory_space<vmem>>, %arg3: memref<2x10000xf32, #tpu.memory_space<vmem>>, %arg4: memref<10000xf32, #tpu.memory_space<vmem>>, %arg5: memref<10000xf32, #tpu.memory_space<vmem>>) attributes {dimension_semantics = [], scalar_prefetch = 0 : i64, scratch_operands = 0 : i64, tpu.core_type = #tpu.core_type<tc>} {
    %get3A = arith.constant 0 : index
    %get3A_0 = arith.constant 0 : index
    %get3A_1 = vector.load %arg1[%get3A, %get3A_0] : memref<128x128xf32, #tpu.memory_space<vmem>>, vector<128x128xf32>
    %get3A_2 = arith.constant 0 : index
    %get3A_3 = arith.constant 0 : index
    %get3A_4 = vector.load %arg2[%get3A_2, %get3A_3] : memref<128x1xf32, #tpu.memory_space<vmem>>, vector<128x1xf32>
    %dot_general3A = arith.constant dense<0.000000e+00> : vector<128x1xf32>
    %dot_general3A_5 = tpu.matmul %get3A_1, %get3A_4, %dot_general3A {dimension_numbers = #tpu.dot_dimension_numbers<[1], [0], [0], [1], [0, 0, 1, 1], [], []>, transpose_lhs_hint = false} : vector<128x128xf32>, vector<128x1xf32>, vector<128x1xf32> -> vector<128x1xf32>
    %get3A_6 = arith.constant 0 : index
    %get3A_7 = arith.constant 0 : index
    %get3A_8 = vector.load %arg0[%get3A_6, %get3A_7] : memref<10000x128xf32, #tpu.memory_space<vmem>>, vector<10000x128xf32>
    %dot_general3A_9 = arith.constant dense<0.000000e+00> : vector<10000x1xf32>
    %dot_general3A_10 = tpu.matmul %get3A_8, %dot_general3A_5, %dot_general3A_9 {dimension_numbers = #tpu.dot_dimension_numbers<[1], [0], [0], [1], [0, 0, 1, 1], [], []>, transpose_lhs_hint = false} : vector<10000x128xf32>, vector<128x1xf32>, vector<10000x1xf32> -> vector<10000x1xf32>
    %get3A_11 = arith.constant 0 : index
    %get3A_12 = arith.constant 0 : index
    %get3A_13 = vector.load %arg3[%get3A_11, %get3A_12] : memref<2x10000xf32, #tpu.memory_space<vmem>>, vector<1x10000xf32>
    %get3A_14 = vector.shape_cast %get3A_13 : vector<1x10000xf32> to vector<10000xf32>
    %max3A = arith.constant 1.000000e+00 : f32
    %max3A_15 = vector.broadcast %max3A : f32 to vector<10000xf32>
    %max3A_16 = arith.maximumf %get3A_14, %max3A_15 : vector<10000xf32>
    %rsqrt3A = math.rsqrt %max3A_16 : vector<10000xf32>
    %reshape3A = vector.shape_cast %dot_general3A_10 : vector<10000x1xf32> to vector<10000xf32>
    %mul3A = arith.mulf %rsqrt3A, %reshape3A : vector<10000xf32>
    %swap3A = arith.constant 0 : index
    %swap3A_17 = vector.load %arg4[%swap3A] : memref<10000xf32, #tpu.memory_space<vmem>>, vector<10000xf32>
    tpu.vector_store %arg4[%swap3A], %mul3A {strides = array<i32>} : memref<10000xf32, #tpu.memory_space<vmem>>, vector<10000xf32>,
    %get3A_18 = arith.constant 1 : index
    %get3A_19 = arith.constant 0 : index
    %get3A_20 = vector.load %arg3[%get3A_18, %get3A_19] : memref<2x10000xf32, #tpu.memory_space<vmem>>, vector<1x10000xf32>
    %get3A_21 = vector.shape_cast %get3A_20 : vector<1x10000xf32> to vector<10000xf32>
    %max3A_22 = arith.constant 1.000000e+00 : f32
    %max3A_23 = vector.broadcast %max3A_22 : f32 to vector<10000xf32>
    %max3A_24 = arith.maximumf %get3A_21, %max3A_23 : vector<10000xf32>
    %rsqrt3A_25 = math.rsqrt %max3A_24 : vector<10000xf32>
    %swap3A_26 = arith.constant 0 : index
    %swap3A_27 = vector.load %arg5[%swap3A_26] : memref<10000xf32, #tpu.memory_space<vmem>>, vector<10000xf32>
    tpu.vector_store %arg5[%swap3A_26], %rsqrt3A_25 {strides = array<i32>} : memref<10000xf32, #tpu.memory_space<vmem>>, vector<10000xf32>,
    return
  }
}

module attributes {stable_mosaic.version = 14 : i64} {
  func.func @_k3_body(%arg0: memref<2x10000xf32, #tpu.memory_space<vmem>>, %arg1: memref<10000xf32, #tpu.memory_space<vmem>>, %arg2: memref<1x128xf32, #tpu.memory_space<vmem>>, %arg3: memref<1x128xf32, #tpu.memory_space<vmem>>, %arg4: memref<1x1xf32, #tpu.memory_space<vmem>>, %arg5: memref<10000x1xf32, #tpu.memory_space<vmem>>) attributes {dimension_semantics = [], scalar_prefetch = 0 : i64, scratch_operands = 0 : i64, tpu.core_type = #tpu.core_type<tc>} {
    %get3A = arith.constant 0 : index
    %get3A_0 = arith.constant 0 : index
    %get3A_1 = vector.load %arg2[%get3A, %get3A_0] : memref<1x128xf32, #tpu.memory_space<vmem>>, vector<1x128xf32>
    %get3A_2 = arith.constant 0 : index
    %get3A_3 = arith.constant 0 : index
    %get3A_4 = vector.load %arg3[%get3A_2, %get3A_3] : memref<1x128xf32, #tpu.memory_space<vmem>>, vector<1x128xf32>
    %mul3A = arith.mulf %get3A_1, %get3A_4 : vector<1x128xf32>
    %reduce_sum3A = vector.shape_cast %mul3A : vector<1x128xf32> to vector<1x1x128xf32>
    %reduce_sum3A_5 = arith.constant dense<0.000000e+00> : vector<1xf32>
    %reduce_sum3A_6 = vector.multi_reduction <add>, %reduce_sum3A, %reduce_sum3A_5 [1, 2] : vector<1x1x128xf32> to vector<1xf32>
    %reduce_sum3A_7 = vector.shape_cast %reduce_sum3A_6 : vector<1xf32> to vector<1x1x1xf32>
    %reduce_sum3A_8 = vector.extract %reduce_sum3A_7[0, 0, 0] : f32 from vector<1x1x1xf32>
    %get3A_9 = arith.constant 0 : index
    %get3A_10 = arith.constant 0 : index
    %get3A_11 = vector.load %arg4[%get3A_9, %get3A_10] : memref<1x1xf32, #tpu.memory_space<vmem>>, vector<1x1xf32>
    %get3A_12 = vector.extract %get3A_11[0, 0] : f32 from vector<1x1xf32>
    %add3A = arith.addf %reduce_sum3A_8, %get3A_12 : f32
    %get3A_13 = arith.constant 0 : index
    %get3A_14 = vector.load %arg1[%get3A_13] : memref<10000xf32, #tpu.memory_space<vmem>>, vector<10000xf32>
    %get3A_15 = arith.constant 0 : index
    %get3A_16 = arith.constant 0 : index
    %get3A_17 = vector.load %arg0[%get3A_15, %get3A_16] : memref<2x10000xf32, #tpu.memory_space<vmem>>, vector<1x10000xf32>
    %get3A_18 = vector.shape_cast %get3A_17 : vector<1x10000xf32> to vector<10000xf32>
    %get3A_19 = arith.constant 1 : index
    %get3A_20 = arith.constant 0 : index
    %get3A_21 = vector.load %arg0[%get3A_19, %get3A_20] : memref<2x10000xf32, #tpu.memory_space<vmem>>, vector<1x10000xf32>
    %get3A_22 = vector.shape_cast %get3A_21 : vector<1x10000xf32> to vector<10000xf32>
    %add3A_23 = arith.addf %get3A_18, %get3A_22 : vector<10000xf32>
    %mul3A_24 = arith.mulf %get3A_14, %add3A_23 : vector<10000xf32>
    %add3A_25 = vector.broadcast %add3A : f32 to vector<10000xf32>
    %add3A_26 = arith.addf %mul3A_24, %add3A_25 : vector<10000xf32>
    %reshape3A = vector.shape_cast %add3A_26 : vector<10000xf32> to vector<10000x1xf32>
    %swap3A = arith.constant 0 : index
    %swap3A_27 = arith.constant 0 : index
    %swap3A_28 = vector.load %arg5[%swap3A, %swap3A_27] : memref<10000x1xf32, #tpu.memory_space<vmem>>, vector<10000x1xf32>
    tpu.vector_store %arg5[%swap3A, %swap3A_27], %reshape3A {strides = array<i32>} : memref<10000x1xf32, #tpu.memory_space<vmem>>, vector<10000x1xf32>,
    return
  }
}

</mosaic_0001>

<sc_bundles>
// kernel: kernel.6.cloned.1.call-start
scs
__scs_entry_jumppad:
0x0: {  	(pc) =	sbr.rel $0x88, $3  }
0x1: {  	(tag) =	ssettag $0x0;
	lr =	simm.s32 $0x1  }
0x2: {  	[smem:$0x3F9B] =	sst lr;
	_ =	strace $0xD0000000  }
0x3: {  	_ = 	snop  }
0x4: {  	_ = 	snop  }
0x5: {  	_ = 	snop  }
0x6: {  	_ = 	snop  }
0x7: {  	_ = 	snop  }
__scs_overlays_trampoline_lowered:
0x8: {  	[smem:$0x3FAA] =	sst s0  }
0x9: {  	[smem:$0x3FAB] =	sst s1  }
0xa: {  	[smem:$0x3FAC] =	sst s2  }
0xb: {  	[smem:$0x3FAD] =	sst s3  }
0xc: {  	[smem:$0x3FAE] =	sst s4  }
0xd: {  	[smem:$0x3FAF] =	sst s5  }
0xe: {  	[smem:$0x3FB0] =	sst s6  }
0xf: {  	[smem:$0x3FB1] =	sst s7  }
0x10: {  	[smem:$0x3FB2] =	sst s8  }
0x11: {  	[smem:$0x3FB3] =	sst s9;
	s0 =	simm.s32 @!p0 $0x0  }
0x12: {  	s1 =	sld [smem:$0x3F99];
	s0 =	simm.s32 @p0 $0x1  }
0x13: {  	[smem:$0x3FB4] =	sst s0;
	s0 =	simm.s32 @!p1 $0x0  }
0x14: {  	s2 =	sld [smem:$0x3F98];
	s0 =	simm.s32 @p1 $0x1  }
0x15: {  	[smem:$0x3FB5] =	sst s0;
	s0 =	simm.s32 @!p2 $0x0  }
0x16: {  	s3 =	sld [smem:$0x3FDB];
	s0 =	simm.s32 @p2 $0x1  }
0x17: {  	s4 =	simm.s32 $0x1BF5;
	[smem:$0x3FB7] =	sst s0  }
0x18: {  	s0 =	sld [smem:$0x3F9A];
	_ =	swait.ge [sflag:s4], $0x0  }
0x19: {  	s7 =	sld [smem:$0x3F9B]  }
0x1a: {  	s8 =	sadd.s32 $0xFFFFE003, lr  }
0x1b: {  	s9 =	sadd.s32 $0xFFFFFEF7, lr;
	s5 =	simm.s32 $0xFFFFFFFF;
	p2 =	slt.u32 s8, $0xFFFFF086  }
0x1c: {  	p1 =	slt.u32 s9, $0xF7A;
	s5 =	simm.s32 @!p2 $0x0  }
0x1d: {  	s5 =	simm.s32 @p1 $0x1;
	p0 =	seq.s32 s7, s2  }
0x1e: {  	s7 =	smul.u32 @!p0 $0xF7A, s2;
	p2 =	seq.s32 @!p0 s5, $0x0  }
0x1f: {  	s9 =	smul.u32 $0xF7A, s1;
	s8 =	simm.s32 @!p0 $0x1BF5;
	p2 =	por !p2, p0  }
0x20: {  	[sflag:s8] =	ssyncset.s32 @!p0 $0xFFFFF086;
	s6 =	sadd.s32 @!p0 s3, s7;
	s7 =	simm.s32 @!p0 $0x108  }
0x21: {  	s3 =	sadd.s32 s3, s9;
	s6 =	sadd.s32 @!p0 $0x88, s6;
	s7 =	simm.s32 @p2 $0x1082  }
0x22: {  	[simem:s7], [sflag:s8] =	dma.local @!p0 [hbm:s6], $0xF7A  }
0x23: {  	s9 =	sor.u32 $0xD0000000, s2;
	s6 =	simm.s32 $0x108;
	_ =	swait.ge @!p0 [sflag:s8], $0x0  }
0x24: {  	s3 =	sadd.s32 $0x88, s3;
	s6 =	simm.s32 @!p1 $0x1082;
	[sflag:s4] =	ssyncset.s32 $0xFFFFF086  }
0x25: {  	[simem:s6], [sflag:s4] =	dma.local [hbm:s3], $0xF7A  }
0x26: {  	[smem:$0x3F9B] =	sst s1;
	(tag) =	ssettag s2;
	_ =	strace s9  }
0x27: {  	s1 =	sld [smem:$0x3FAB]  }
0x28: {  	s2 =	sld [smem:$0x3FAC]  }
0x29: {  	s4 =	sld [smem:$0x3FAE]  }
0x2a: {  	p0 =	seq.s32 s5, $0x0;
	s5 =	sld [smem:$0x3FAF]  }
0x2b: {  	s6 =	sld [smem:$0x3FB0]  }
0x2c: {  	s7 =	sld [smem:$0x3FB1]  }
0x2d: {  	s3 =	simm.s32 $0x108;
	s8 =	sld [smem:$0x3FB2]  }
0x2e: {  	s3 =	simm.s32 @!p0 $0x1082;
	s9 =	sld [smem:$0x3FB3]  }
0x2f: {  	lr =	sadd.s32 s0, s3;
	s0 =	sld [smem:$0x3FAA]  }
0x30: {  	s3 =	sld [smem:$0x3FAD]  }
0x31: {  	[smem:$0x3FB6] =	sst s10  }
0x32: {  	s10 =	sld [smem:$0x3FB4];
	_ =	sdelay $0x3  }
0x33: {  	p0 =	seq.s32 s10, $0x1;
	s10 =	sld [smem:$0x3FB6];
	_ =	sdelay $0x3  }
0x34: {  	[smem:$0x3FB6] =	sst s10  }
0x35: {  	s10 =	sld [smem:$0x3FB5];
	_ =	sdelay $0x3  }
0x36: {  	p1 =	seq.s32 s10, $0x1;
	s10 =	sld [smem:$0x3FB6];
	_ =	sdelay $0x3  }
0x37: {  	[smem:$0x3FB6] =	sst s10  }
0x38: {  	s10 =	sld [smem:$0x3FB7]  }
0x39: {  	_ = 	snop;
	(pc) =	sbr.ind lr, $3  }
0x3a: {  	_ = 	snop  }
0x3b: {  	_ = 	snop  }
0x3c: {  	p2 =	seq.s32 s10, $0x1;
	s10 =	sld [smem:$0x3FB6]  }
0x3d: {  	_ =	shalt  }
0x3e: {  	_ =	shalt  }
0x3f: {  	_ =	shalt  }
0x40: {  	_ =	shalt  }
0x41: {  	_ =	shalt  }
0x42: {  	_ =	shalt  }
0x43: {  	_ =	shalt  }
0x44: {  	_ =	shalt  }
0x45: {  	_ =	shalt  }
0x46: {  	_ =	shalt  }
0x47: {  	_ =	shalt  }
0x48: {  	_ =	shalt  }
0x49: {  	_ =	shalt  }
0x4a: {  	_ =	shalt  }
0x4b: {  	_ =	shalt  }
0x4c: {  	_ =	shalt  }
0x4d: {  	_ =	shalt  }
0x4e: {  	_ =	shalt  }
0x4f: {  	_ =	shalt  }
0x50: {  	_ =	shalt  }
0x51: {  	_ =	shalt  }
0x52: {  	_ =	shalt  }
0x53: {  	_ =	shalt  }
0x54: {  	_ =	shalt  }
0x55: {  	_ =	shalt  }
0x56: {  	_ =	shalt  }
0x57: {  	_ =	shalt  }
0x58: {  	_ =	shalt  }
0x59: {  	_ =	shalt  }
0x5a: {  	_ =	shalt  }
0x5b: {  	_ =	shalt  }
0x5c: {  	_ =	shalt  }
0x5d: {  	_ =	shalt  }
0x5e: {  	_ =	shalt  }
0x5f: {  	_ =	shalt  }
0x60: {  	_ =	shalt  }
0x61: {  	_ =	shalt  }
0x62: {  	_ =	shalt  }
0x63: {  	_ =	shalt  }
0x64: {  	_ =	shalt  }
0x65: {  	_ =	shalt  }
0x66: {  	_ =	shalt  }
0x67: {  	_ =	shalt  }
0x68: {  	_ =	shalt  }
0x69: {  	_ =	shalt  }
0x6a: {  	_ =	shalt  }
0x6b: {  	_ =	shalt  }
0x6c: {  	_ =	shalt  }
0x6d: {  	_ =	shalt  }
0x6e: {  	_ =	shalt  }
0x6f: {  	_ =	shalt  }
0x70: {  	_ =	shalt  }
0x71: {  	_ =	shalt  }
0x72: {  	_ =	shalt  }
0x73: {  	_ =	shalt  }
0x74: {  	_ =	shalt  }
0x75: {  	_ =	shalt  }
0x76: {  	_ =	shalt  }
0x77: {  	_ =	shalt  }
0x78: {  	_ =	shalt  }
0x79: {  	_ =	shalt  }
0x7a: {  	_ =	shalt  }
0x7b: {  	_ =	shalt  }
0x7c: {  	_ =	shalt  }
0x7d: {  	_ =	shalt  }
0x7e: {  	_ =	shalt  }
0x7f: {  	_ =	shalt  }
0x80: {  	_ =	shalt  }
0x81: {  	_ =	shalt  }
0x82: {  	_ =	shalt  }
0x83: {  	_ =	shalt  }
0x84: {  	_ =	shalt  }
0x85: {  	_ =	shalt  }
0x86: {  	_ =	shalt  }
0x87: {  	_ =	shalt  }
.Lfunc_end0:
.L_simem_size_0:
called_computation_lowered:
.L_overlay_start_0:
0x88: {  	s2 =	sld [smem:$0x3FD9]  }
0x89: {  	s3 =	sld [smem:$0x3FFE];
	_ =	sdelay $0x1  }
0x8a: {  	s1 =	srdreg.scid  }
0x8b: {  	s0 =	sand.u32 $0x1, s1  }
0x8c: {  	s16 =	sshll.u32 s0, $0xA;
	s2 =	sadd.s32 s3, s2  }
0x8d: {  	s2 =	sadd.s32 s2, s16  }
0x8e: {  	[smem:$0x3FC2] =	sst s2  }
0x8f: {  	_ = 	snop  }
0x90: {  	(tm) =	ssettm $0x1  }
0x91: {  	s17 =	sld [smem:$0x3FFB];
	_ =	sdelay $0x3  }
0x92: {  	_ =	strace s17  }
0x93: {  	s2 =	sld [smem:$0x3FFC];
	_ =	sdelay $0x3  }
0x94: {  	_ =	strace s2  }
0x95: {  	s2 =	sld [smem:$0x3FFD];
	_ =	sdelay $0x3  }
0x96: {  	_ =	strace s2  }
0x97: {  	_ =	strace $0x8FFFFFFF  }
0x98: {  	s18 =	sld [smem:$0x3FDB];
	_ =	sdelay $0x1  }
0x99: {  	s19 =	simm.s32 $_scs_section_size  }
0x9a: {  	s4 =	simm.s32 $_size__tile_overlayer_lowered;
	s5 =	simm.s32 $_tile_overlayer_lowered  }
0x9b: {  	s22 =	simm.s32 $0x1BFF;
	s21 =	sshll.u32 s5, $0x1;
	s2 =	sadd.s32 s19, s18  }
0x9c: {  	s6 =	simm.s32 $0x0;
	s20 =	sshll.u32 s4, $0x1;
	s4 =	sadd.s32 s21, s2  }
0x9d: {  	[timem:s6], [sflag:s22] =	dma.local [hbm:s4], s20  }
0x9e: {  	_ =	swait.ge [sflag:s22], s20  }
0x9f: {  	s3 =	ssub.s32 $0x0, s20;
	[sflag:s22] =	ssyncset.done $0x0  }
0xa0: {  	[sflag:s22] =	ssyncadd.s32 s3;
	_ =	sdelay $0x1  }
0xa1: {  	s23 =	simm.s32 $0x1B8B  }
0xa2: {  	_ =	swait.ge [sflag:s23], $0x1  }
0xa3: {  	[sflag:s23] =	ssyncset.done $0x0  }
0xa4: {  	s25 =	simm.s32 $0x1B8E;
	s24 =	sld [smem:$0x3FFE];
	[sflag:s23] =	ssyncadd.s32 $0xFFFFFFFF  }
0xa5: {  	s26 =	simm.s32 $execute0_lowered;
	[smem:$0x3FD2] =	sst s25  }
0xa6: {  	s4 =	sshll.u32 s26, $0x1;
	_ =	strace $0x80000046;
	[dreg:$0x1] =	wrdreg $0xFFFFFFFF  }
0xa7: {  	s28 =	simm.s32 $_size_execute0_lowered;
	s2 =	sadd.s32 s2, s4;
	[dreg:$0x0] =	wrdreg $0x0  }
0xa8: {  	s4 =	sshll.u32 s28, $0x1;
	[dreg:$0x2] =	wrdreg s2  }
0xa9: {  	[dreg:$0x3] =	wrdreg s4  }
0xaa: {  	[dreg:$0x4] =	wrdreg $0xC0  }
0xab: {  	_ =	task [dreg:s6], $0x5FFFF  }
0xac: {  	[dreg:$0x1] =	wrdreg $0xFFFFFFFF  }
0xad: {  	[dreg:$0x0] =	wrdreg $0x60  }
0xae: {  	[dreg:$0x2] =	wrdreg s24  }
0xaf: {  	[dreg:$0x3] =	wrdreg $0x76800  }
0xb0: {  	[dreg:$0x4] =	wrdreg $0x9  }
0xb1: {  	_ =	task.clear_ibuf [dreg:s6], $0x5FFFF;
	_ =	strace $0x90000046  }
0xb2: {  	s29 =	simm.s32 $0x9;
	_ =	strace $0x80000048  }
0xb3: {  	_ =	swait.ge [sflag:s29], $0x1  }
0xb4: {  	[sflag:s29] =	ssyncadd.s32 $0xFFFFFFFF  }
0xb5: {  	_ =	strace $0x90000048  }
0xb6: {  	_ =	sfence  }
0xb7: {  	s30 =	sld [smem:$0x0];
	_ =	sdelay $0x2  }
0xb8: {  	s31 =	sshll.u32 s1, $0xD;
	s1 =	sshrl.u32 s1, $0x2  }
0xb9: {  	s3 =	sand.u32 $0x4000, s31;
	s1 =	sadd.s32 s1, s30  }
0xba: {  	s0 =	sor.u32 s3, s0;
	s1 =	sshll.u32 s1, $0x11  }
0xbb: {  	s0 =	sor.u32 s1, s0  }
0xbc: {  	s0 =	sadd.s32 $0x8F2B, s0  }
0xbd: {  	[sflag:s0] =	ssyncadd.remote.s32 $0x1  }
0xbe: {  	_ =	sfence.sel $0xFFFF  }
0xbf: {  	[dreg:$0x0] =	wrdreg $0xFFFFFFFF;
	(pc) =	sbr.abs _section_cstart, $3  }
0xc0: {  	[dreg:$0x1] =	wrdreg $0xFFFFFFFF  }
0xc1: {  	_ =	task.clear_ibuf [dreg:s6], $0x2FFFF;
	_ =	strace $0x9FFFFFFF  }
0xc2: {  	(tm) =	ssettm $0x7FFFFFFF  }
0xc3: {  	_ =	shalt  }
tec
execute0_lowered:
.L_overlay_start_1:
0x0: {  	(tag) =	ssettag $0x1  }
0x1: {  	s0 =	srdreg.scid  }
0x2: {  	s4 =	stileid.u32;
	s3 =	sand.u32 $0x1, s0  }
0x3: {  	s1 =	sshll.u32 s4, $0x1;
	s0 =	sshll.u32 s3, $0x5  }
0x4: {  	s0 =	sor.u32 s1, s0  }
0x5: {  	s0 =	sshrl.u32 s0, $0x3  }
0x6: {  	s6 =	rddreg [dreg:$0x0];
	s7 =	sshll.u32 s4, $0x8;
	s5 =	smul.u32 $0x13C00, s0  }
0x7: {  	s8 =	sadd.s32 $0x15400, s6;
	s7 =	sand.u32 $0x300, s7;
	s9 =	ssub.s32 $0x2, s3  }
0x8: {  	s3 =	sshll.u32 s3, $0x4;
	s10 =	sshrl.u32 s9, $0x1;
	s5 =	sor.u32 s7, s5  }
0x9: {  	s3 =	sadd.s32 s3, s6;
	s31 =	ssub.s32 s9, s10;
	s5 =	sshrl.u32 s5, $0x3  }
0xa: {  	s30 =	sadd.s32 s5, s6;
	s5 =	sadd.s32 $0x15A00, s6;
	s6 =	smax.u32 s31, $0x1  }
0xb: {  	s2 =	simm.s32 $0x0;
	s14 =	simm.s32 $0x80;
	s18 =	sadd.s32 $0xFFFFFFFF, s6  }
0xc: {  	s15 =	simm.s32 $0x400;
	s11 =	simm.s32 $0x4F00;
	p2 =	sne.s32 s18, $0x0  }
.Ltmp0:
0xd: {  	s12 =	simm.s32 $0x2710;
	[smem:$0x7FF] =	sst s2;
	(pc) =	sbr.rel @!p2 .LBB2_3-.Ltmp0, $4  }
0xe: {  	p1 =	por $0x0, $0x0;
	p0 =	sne.s32 s4, $0x0;
	s1 =	rddreg [dreg:$0x1]  }
0xf: {  	s3 =	sadd.s32 $0x16000, s3;
	s4 =	sshrl.u32 @!p0 s1, $0x3;
	s10 =	simm.s32 $0x2  }
0x10: {  	s0 =	rddreg [dreg:$0x2];
	_ =	strace $0x80000047;
	s7 =	simm.s32 $0x2780  }
0x11: {  	s13 =	sadd.s32 $0x1800, s30;
	s9 =	sadd.s32 $0x1810, s30;
	s6 =	simm.s32 $0x1  }
0x12: {  	s17 =	simm.s32 @!p0 $0x1C02;
	s16 =	simm.s32 @!p0 $0x2  }
0x13: {  	[spmem:s4], [sflag:s17] =	dma.local @!p0 [hbm:s8], $0x4F0  }
0x14: {  	_ =	swait.ge @!p0 [sflag:s16], $0x4F0  }
0x15: {  	[sflag:s16] =	ssyncset.done @!p0 $0x0  }
0x16: {  	[sflag:s16] =	ssyncadd.s32 @!p0 $0xFFFFFB10  }
0x17: {  	[tilespmem:s2], [sflag:$0x2] =	stream.strided.gather [hbm4b:s13+s14], $0x2780, s15, s14, $0x38;
	[tilespmem:$0x78F8] =	vst v63  }
0x18: {  	_ =	swait.ge [sflag:s10], $0x2780  }
0x19: {  	[sflag:s10] =	ssyncset.done $0x0  }
0x1a: {  	[sflag:s10] =	ssyncadd.s32 $0xFFFFD880  }
0x1b: {  	[tilespmem:s7], [sflag:$0x2] =	stream.strided.gather [hbm4b:s9+s14], $0x2780, s15, s14, $0x38;
	[tilespmem:$0x78F8] =	vst v63  }
0x1c: {  	_ =	swait.ge [sflag:s10], $0x2780  }
0x1d: {  	[sflag:s10] =	ssyncset.done $0x0  }
0x1e: {  	[sflag:s10] =	ssyncadd.s32 $0xFFFFD880  }
0x1f: {  	[tilespmem:s11], [sflag:$0x2] =	stream.linear.gather [hbm4b:s5+s2], $0x2780, $0x38;
	[tilespmem:$0x78F8] =	vst v63  }
0x20: {  	_ =	swait.ge [sflag:s10], $0x2780  }
0x21: {  	[sflag:s10] =	ssyncset.done $0x0  }
0x22: {  	[sflag:s10] =	ssyncadd.s32 $0xFFFFD880  }
0x23: {  	[bflag:$0x0] =	sbarrier.arrive $0xFFFF  }
0x24: {  	[spmem:s1] =	stream.indirect.scatter.add.f32 [tilespmem:s11], [sflag:$0x1], $0x1, s2, s12, $0xb8;
	[tilespmem:$0x78F8] =	vst v63  }
0x25: {  	_ = 	snop  }
0x26: {  	[spmem:s1] =	stream.indirect.scatter.add.f32 [tilespmem:s11], [sflag:$0x1], $0x1, s7, s12, $0xb8;
	[tilespmem:$0x78F8] =	vst v63  }
0x27: {  	_ =	swait.ge [sflag:s6], $0x2710  }
0x28: {  	[sflag:s6] =	ssyncset.done $0x0  }
0x29: {  	[sflag:s6] =	ssyncadd.s32 $0xFFFFD8F0  }
0x2a: {  	s18 =	sadd.s32 $0xFFFFFFFF, s18;
	_ =	swait.ge [sflag:s6], $0x2710  }
0x2b: {  	p2 =	sne.s32 s18, $0x0;
	[sflag:s6] =	ssyncset.done $0x0  }
.Ltmp1:
0x2c: {  	s19 =	simm.s32 @!p0 $0x10;
	[sflag:s6] =	ssyncadd.s32 $0xFFFFD8F0;
	(pc) =	sbr.rel @!p2 .LBB2_3-.Ltmp1, $4  }
0x2d: {  	s20 =	simm.s32 @!p0 $0x1;
	s21 =	simm.s32 @!p0 $0x20;
	[bflag:$0x0] =	sbarrier.arrive $0xFFFF  }
0x2e: {  	[hbm:s3@s21], [sflag:s17] =	dma.strided @!p0 [spmem:s4@s19], $0x4F0, s20, $0x10   }
0x2f: {  	_ =	swait.ge @!p0 [sflag:s16], $0x4F0  }
0x30: {  	p1 =	por $0x1, $0x1;
	[sflag:s16] =	ssyncset.done @!p0 $0x0  }
.LBB2_2:
0x31: {  	[sflag:s16] =	ssyncadd.s32 @!p0 $0xFFFFFB10  }
0x32: {  	[spmem:s4], [sflag:s17] =	dma.local @!p0 [hbm:s8], $0x4F0  }
0x33: {  	s18 =	sadd.s32 $0xFFFFFFFF, s18;
	_ =	swait.ge @!p0 [sflag:s16], $0x4F0  }
0x34: {  	p2 =	sne.s32 s18, $0x0;
	[sflag:s16] =	ssyncset.done @!p0 $0x0  }
0x35: {  	[sflag:s16] =	ssyncadd.s32 @!p0 $0xFFFFFB10  }
0x36: {  	[tilespmem:s2], [sflag:$0x2] =	stream.strided.gather [hbm4b:s13+s14], $0x2780, s15, s14, $0x38;
	[tilespmem:$0x78F8] =	vst v63  }
0x37: {  	_ =	swait.ge [sflag:s10], $0x2780  }
0x38: {  	[sflag:s10] =	ssyncset.done $0x0  }
0x39: {  	[sflag:s10] =	ssyncadd.s32 $0xFFFFD880  }
0x3a: {  	[tilespmem:s7], [sflag:$0x2] =	stream.strided.gather [hbm4b:s9+s14], $0x2780, s15, s14, $0x38;
	[tilespmem:$0x78F8] =	vst v63  }
0x3b: {  	_ =	swait.ge [sflag:s10], $0x2780  }
0x3c: {  	[sflag:s10] =	ssyncset.done $0x0  }
0x3d: {  	[sflag:s10] =	ssyncadd.s32 $0xFFFFD880  }
0x3e: {  	[tilespmem:s11], [sflag:$0x2] =	stream.linear.gather [hbm4b:s5+s2], $0x2780, $0x38;
	[tilespmem:$0x78F8] =	vst v63  }
0x3f: {  	_ =	swait.ge [sflag:s10], $0x2780  }
0x40: {  	[sflag:s10] =	ssyncset.done $0x0  }
0x41: {  	[sflag:s10] =	ssyncadd.s32 $0xFFFFD880  }
0x42: {  	[bflag:$0x0] =	sbarrier.arrive $0xFFFF  }
0x43: {  	[spmem:s1] =	stream.indirect.scatter.add.f32 [tilespmem:s11], [sflag:$0x1], $0x1, s2, s12, $0xb8;
	[tilespmem:$0x78F8] =	vst v63  }
0x44: {  	_ = 	snop  }
0x45: {  	[spmem:s1] =	stream.indirect.scatter.add.f32 [tilespmem:s11], [sflag:$0x1], $0x1, s7, s12, $0xb8;
	[tilespmem:$0x78F8] =	vst v63  }
0x46: {  	_ =	swait.ge [sflag:s6], $0x2710  }
0x47: {  	[sflag:s6] =	ssyncset.done $0x0  }
0x48: {  	[sflag:s6] =	ssyncadd.s32 $0xFFFFD8F0  }
0x49: {  	_ =	swait.ge [sflag:s6], $0x2710  }
0x4a: {  	[sflag:s6] =	ssyncset.done $0x0  }
.Ltmp2:
0x4b: {  	[sflag:s6] =	ssyncadd.s32 $0xFFFFD8F0;
	(pc) =	sbr.rel @p2 .LBB2_2-.Ltmp2, $4  }
0x4c: {  	[bflag:$0x0] =	sbarrier.arrive $0xFFFF  }
0x4d: {  	[hbm:s3@s21], [sflag:s17] =	dma.strided @!p0 [spmem:s4@s19], $0x4F0, s20, $0x10   }
0x4e: {  	_ =	swait.ge @!p0 [sflag:s16], $0x4F0  }
0x4f: {  	[sflag:s16] =	ssyncset.done @!p0 $0x0  }
.LBB2_3:
0x50: {  	p1 =	por p0, !p1  }
0x51: {  	s17 =	simm.s32 @!p0 $0x1C02;
	s18 =	simm.s32 @!p0 $0x2;
	[sflag:s16] =	ssyncadd.s32 @!p1 $0xFFFFFB10  }
0x52: {  	[spmem:s4], [sflag:s17] =	dma.local @!p0 [hbm:s8], $0x4F0  }
0x53: {  	_ =	swait.ge @!p0 [sflag:s18], $0x4F0  }
0x54: {  	[sflag:s18] =	ssyncset.done @!p0 $0x0  }
0x55: {  	[sflag:s18] =	ssyncadd.s32 @!p0 $0xFFFFFB10  }
0x56: {  	[tilespmem:s2], [sflag:$0x2] =	stream.strided.gather [hbm4b:s13+s14], $0x2780, s15, s14, $0x38;
	[tilespmem:$0x78F8] =	vst v63  }
0x57: {  	_ =	swait.ge [sflag:s10], $0x2780  }
0x58: {  	[sflag:s10] =	ssyncset.done $0x0  }
0x59: {  	[sflag:s10] =	ssyncadd.s32 $0xFFFFD880  }
0x5a: {  	[tilespmem:s7], [sflag:$0x2] =	stream.strided.gather [hbm4b:s9+s14], $0x2780, s15, s14, $0x38;
	[tilespmem:$0x78F8] =	vst v63  }
0x5b: {  	_ =	swait.ge [sflag:s10], $0x2780  }
0x5c: {  	[sflag:s10] =	ssyncset.done $0x0  }
0x5d: {  	[sflag:s10] =	ssyncadd.s32 $0xFFFFD880  }
0x5e: {  	[tilespmem:s11], [sflag:$0x2] =	stream.linear.gather [hbm4b:s5+s2], $0x2780, $0x38;
	[tilespmem:$0x78F8] =	vst v63  }
0x5f: {  	_ =	swait.ge [sflag:s10], $0x2780  }
0x60: {  	[sflag:s10] =	ssyncset.done $0x0  }
0x61: {  	[sflag:s10] =	ssyncadd.s32 $0xFFFFD880  }
0x62: {  	[bflag:$0x0] =	sbarrier.arrive $0xFFFF  }
0x63: {  	[spmem:s1] =	stream.indirect.scatter.add.f32 [tilespmem:s11], [sflag:$0x1], $0x1, s2, s12, $0xb8;
	[tilespmem:$0x78F8] =	vst v63  }
0x64: {  	_ = 	snop  }
0x65: {  	[spmem:s1] =	stream.indirect.scatter.add.f32 [tilespmem:s11], [sflag:$0x1], $0x1, s7, s12, $0xb8;
	[tilespmem:$0x78F8] =	vst v63  }
0x66: {  	_ =	swait.ge [sflag:s6], $0x2710  }
0x67: {  	[sflag:s6] =	ssyncset.done $0x0  }
0x68: {  	[sflag:s6] =	ssyncadd.s32 $0xFFFFD8F0  }
0x69: {  	_ =	swait.ge [sflag:s6], $0x2710  }
0x6a: {  	[sflag:s6] =	ssyncset.done $0x0  }
0x6b: {  	s5 =	simm.s32 @!p0 $0x20;
	[sflag:s6] =	ssyncadd.s32 $0xFFFFD8F0  }
0x6c: {  	s2 =	simm.s32 @!p0 $0x1;
	s1 =	simm.s32 @!p0 $0x10;
	[bflag:$0x0] =	sbarrier.arrive $0xFFFF  }
0x6d: {  	[hbm:s3@s5], [sflag:s17] =	dma.strided @!p0 [spmem:s4@s1], $0x4F0, s2, $0x10   }
0x6e: {  	_ =	swait.ge @!p0 [sflag:s18], $0x4F0  }
0x6f: {  	[sflag:s18] =	ssyncset.done @!p0 $0x0  }
0x70: {  	[sflag:s18] =	ssyncadd.s32 @!p0 $0xFFFFFB10  }
0x71: {  	_ =	sfence.sel $0x180000  }
0x72: {  	[bflag:$0x0] =	sbarrier.arrive $0xFFFF  }
0x73: {  	_ =	strace $0x90000047  }
0x74: {  	s0 =	sadd.s32 @!p0 $0x100000, s0;
	[bflag:$0x2] =	sbarrier.arrive $0xFFFF  }
0x75: {  	[sflag:s0] =	ssyncadd.tile.s32 @!p0 $0x1;
	_ =	shalt  }
.Lfunc_end2:
_tile_overlayer_lowered:
.L_overlay_start_2:
0x76: {  	(tag) =	ssettag $0x2  }
0x77: {  	s0 =	rddreg [dreg:$0x0];
	s2 =	stileid.u32  }
0x78: {  	s1 =	rddreg [dreg:$0x1];
	p0 =	sne.s32 s2, $0x0  }
0x79: {  	s3 =	rddreg [dreg:$0x2];
	[bflag:$0x3] =	sbarrier.arrive $0xFFFF;
	s2 =	simm.s32 @!p0 $0x1C02  }
0x7a: {  	[timem:s3], [sflag:s2] =	dma.local @!p0 [hbm:s0], s1  }
0x7b: {  	s0 =	simm.s32 @!p0 $0x2  }
0x7c: {  	_ =	swait.ge @!p0 [sflag:s0], s1  }
0x7d: {  	s1 =	ssub.s32 @!p0 $0x0, s1;
	[sflag:s0] =	ssyncset.done @!p0 $0x0  }
0x7e: {  	[sflag:s0] =	ssyncadd.s32 @!p0 s1  }
0x7f: {  	[bflag:$0x3] =	sbarrier.arrive $0xFFFF  }
0x80: {  	_ =	shalt  }

// kernel: kernel.9.cloned.1.call-start
scs
__scs_entry_jumppad:
0x0: {  	(pc) =	sbr.rel $0x88, $3  }
0x1: {  	(tag) =	ssettag $0x0;
	lr =	simm.s32 $0x1  }
0x2: {  	[smem:$0x3F9B] =	sst lr;
	_ =	strace $0xD0000000  }
0x3: {  	_ = 	snop  }
0x4: {  	_ = 	snop  }
0x5: {  	_ = 	snop  }
0x6: {  	_ = 	snop  }
0x7: {  	_ = 	snop  }
__scs_overlays_trampoline_lowered:
0x8: {  	[smem:$0x3FAA] =	sst s0  }
0x9: {  	[smem:$0x3FAB] =	sst s1  }
0xa: {  	[smem:$0x3FAC] =	sst s2  }
0xb: {  	[smem:$0x3FAD] =	sst s3  }
0xc: {  	[smem:$0x3FAE] =	sst s4  }
0xd: {  	[smem:$0x3FAF] =	sst s5  }
0xe: {  	[smem:$0x3FB0] =	sst s6  }
0xf: {  	[smem:$0x3FB1] =	sst s7  }
0x10: {  	[smem:$0x3FB2] =	sst s8  }
0x11: {  	[smem:$0x3FB3] =	sst s9;
	s0 =	simm.s32 @!p0 $0x0  }
0x12: {  	s1 =	sld [smem:$0x3F99];
	s0 =	simm.s32 @p0 $0x1  }
0x13: {  	[smem:$0x3FB4] =	sst s0;
	s0 =	simm.s32 @!p1 $0x0  }
0x14: {  	s2 =	sld [smem:$0x3F98];
	s0 =	simm.s32 @p1 $0x1  }
0x15: {  	[smem:$0x3FB5] =	sst s0;
	s0 =	simm.s32 @!p2 $0x0  }
0x16: {  	s3 =	sld [smem:$0x3FDB];
	s0 =	simm.s32 @p2 $0x1  }
0x17: {  	s4 =	simm.s32 $0x1BF5;
	[smem:$0x3FB7] =	sst s0  }
0x18: {  	s0 =	sld [smem:$0x3F9A];
	_ =	swait.ge [sflag:s4], $0x0  }
0x19: {  	s7 =	sld [smem:$0x3F9B]  }
0x1a: {  	s8 =	sadd.s32 $0xFFFFE003, lr  }
0x1b: {  	s9 =	sadd.s32 $0xFFFFFEF7, lr;
	s5 =	simm.s32 $0xFFFFFFFF;
	p2 =	slt.u32 s8, $0xFFFFF086  }
0x1c: {  	p1 =	slt.u32 s9, $0xF7A;
	s5 =	simm.s32 @!p2 $0x0  }
0x1d: {  	s5 =	simm.s32 @p1 $0x1;
	p0 =	seq.s32 s7, s2  }
0x1e: {  	s7 =	smul.u32 @!p0 $0xF7A, s2;
	p2 =	seq.s32 @!p0 s5, $0x0  }
0x1f: {  	s9 =	smul.u32 $0xF7A, s1;
	s8 =	simm.s32 @!p0 $0x1BF5;
	p2 =	por !p2, p0  }
0x20: {  	[sflag:s8] =	ssyncset.s32 @!p0 $0xFFFFF086;
	s6 =	sadd.s32 @!p0 s3, s7;
	s7 =	simm.s32 @!p0 $0x108  }
0x21: {  	s3 =	sadd.s32 s3, s9;
	s6 =	sadd.s32 @!p0 $0x88, s6;
	s7 =	simm.s32 @p2 $0x1082  }
0x22: {  	[simem:s7], [sflag:s8] =	dma.local @!p0 [hbm:s6], $0xF7A  }
0x23: {  	s9 =	sor.u32 $0xD0000000, s2;
	s6 =	simm.s32 $0x108;
	_ =	swait.ge @!p0 [sflag:s8], $0x0  }
0x24: {  	s3 =	sadd.s32 $0x88, s3;
	s6 =	simm.s32 @!p1 $0x1082;
	[sflag:s4] =	ssyncset.s32 $0xFFFFF086  }
0x25: {  	[simem:s6], [sflag:s4] =	dma.local [hbm:s3], $0xF7A  }
0x26: {  	[smem:$0x3F9B] =	sst s1;
	(tag) =	ssettag s2;
	_ =	strace s9  }
0x27: {  	s1 =	sld [smem:$0x3FAB]  }
0x28: {  	s2 =	sld [smem:$0x3FAC]  }
0x29: {  	s4 =	sld [smem:$0x3FAE]  }
0x2a: {  	p0 =	seq.s32 s5, $0x0;
	s5 =	sld [smem:$0x3FAF]  }
0x2b: {  	s6 =	sld [smem:$0x3FB0]  }
0x2c: {  	s7 =	sld [smem:$0x3FB1]  }
0x2d: {  	s3 =	simm.s32 $0x108;
	s8 =	sld [smem:$0x3FB2]  }
0x2e: {  	s3 =	simm.s32 @!p0 $0x1082;
	s9 =	sld [smem:$0x3FB3]  }
0x2f: {  	lr =	sadd.s32 s0, s3;
	s0 =	sld [smem:$0x3FAA]  }
0x30: {  	s3 =	sld [smem:$0x3FAD]  }
0x31: {  	[smem:$0x3FB6] =	sst s10  }
0x32: {  	s10 =	sld [smem:$0x3FB4];
	_ =	sdelay $0x3  }
0x33: {  	p0 =	seq.s32 s10, $0x1;
	s10 =	sld [smem:$0x3FB6];
	_ =	sdelay $0x3  }
0x34: {  	[smem:$0x3FB6] =	sst s10  }
0x35: {  	s10 =	sld [smem:$0x3FB5];
	_ =	sdelay $0x3  }
0x36: {  	p1 =	seq.s32 s10, $0x1;
	s10 =	sld [smem:$0x3FB6];
	_ =	sdelay $0x3  }
0x37: {  	[smem:$0x3FB6] =	sst s10  }
0x38: {  	s10 =	sld [smem:$0x3FB7]  }
0x39: {  	_ = 	snop;
	(pc) =	sbr.ind lr, $3  }
0x3a: {  	_ = 	snop  }
0x3b: {  	_ = 	snop  }
0x3c: {  	p2 =	seq.s32 s10, $0x1;
	s10 =	sld [smem:$0x3FB6]  }
0x3d: {  	_ =	shalt  }
0x3e: {  	_ =	shalt  }
0x3f: {  	_ =	shalt  }
0x40: {  	_ =	shalt  }
0x41: {  	_ =	shalt  }
0x42: {  	_ =	shalt  }
0x43: {  	_ =	shalt  }
0x44: {  	_ =	shalt  }
0x45: {  	_ =	shalt  }
0x46: {  	_ =	shalt  }
0x47: {  	_ =	shalt  }
0x48: {  	_ =	shalt  }
0x49: {  	_ =	shalt  }
0x4a: {  	_ =	shalt  }
0x4b: {  	_ =	shalt  }
0x4c: {  	_ =	shalt  }
0x4d: {  	_ =	shalt  }
0x4e: {  	_ =	shalt  }
0x4f: {  	_ =	shalt  }
0x50: {  	_ =	shalt  }
0x51: {  	_ =	shalt  }
0x52: {  	_ =	shalt  }
0x53: {  	_ =	shalt  }
0x54: {  	_ =	shalt  }
0x55: {  	_ =	shalt  }
0x56: {  	_ =	shalt  }
0x57: {  	_ =	shalt  }
0x58: {  	_ =	shalt  }
0x59: {  	_ =	shalt  }
0x5a: {  	_ =	shalt  }
0x5b: {  	_ =	shalt  }
0x5c: {  	_ =	shalt  }
0x5d: {  	_ =	shalt  }
0x5e: {  	_ =	shalt  }
0x5f: {  	_ =	shalt  }
0x60: {  	_ =	shalt  }
0x61: {  	_ =	shalt  }
0x62: {  	_ =	shalt  }
0x63: {  	_ =	shalt  }
0x64: {  	_ =	shalt  }
0x65: {  	_ =	shalt  }
0x66: {  	_ =	shalt  }
0x67: {  	_ =	shalt  }
0x68: {  	_ =	shalt  }
0x69: {  	_ =	shalt  }
0x6a: {  	_ =	shalt  }
0x6b: {  	_ =	shalt  }
0x6c: {  	_ =	shalt  }
0x6d: {  	_ =	shalt  }
0x6e: {  	_ =	shalt  }
0x6f: {  	_ =	shalt  }
0x70: {  	_ =	shalt  }
0x71: {  	_ =	shalt  }
0x72: {  	_ =	shalt  }
0x73: {  	_ =	shalt  }
0x74: {  	_ =	shalt  }
0x75: {  	_ =	shalt  }
0x76: {  	_ =	shalt  }
0x77: {  	_ =	shalt  }
0x78: {  	_ =	shalt  }
0x79: {  	_ =	shalt  }
0x7a: {  	_ =	shalt  }
0x7b: {  	_ =	shalt  }
0x7c: {  	_ =	shalt  }
0x7d: {  	_ =	shalt  }
0x7e: {  	_ =	shalt  }
0x7f: {  	_ =	shalt  }
0x80: {  	_ =	shalt  }
0x81: {  	_ =	shalt  }
0x82: {  	_ =	shalt  }
0x83: {  	_ =	shalt  }
0x84: {  	_ =	shalt  }
0x85: {  	_ =	shalt  }
0x86: {  	_ =	shalt  }
0x87: {  	_ =	shalt  }
.Lfunc_end0:
.L_simem_size_0:
called_computation.1_lowered:
.L_overlay_start_0:
0x88: {  	s2 =	sld [smem:$0x3FD9]  }
0x89: {  	s3 =	sld [smem:$0x3FFE];
	_ =	sdelay $0x1  }
0x8a: {  	s1 =	srdreg.scid  }
0x8b: {  	s0 =	sand.u32 $0x1, s1  }
0x8c: {  	s16 =	sshll.u32 s0, $0xA;
	s2 =	sadd.s32 s3, s2  }
0x8d: {  	s2 =	sadd.s32 s2, s16  }
0x8e: {  	[smem:$0x3FC2] =	sst s2  }
0x8f: {  	_ = 	snop  }
0x90: {  	(tm) =	ssettm $0x1  }
0x91: {  	s17 =	sld [smem:$0x3FFB];
	_ =	sdelay $0x3  }
0x92: {  	_ =	strace s17  }
0x93: {  	s2 =	sld [smem:$0x3FFC];
	_ =	sdelay $0x3  }
0x94: {  	_ =	strace s2  }
0x95: {  	s2 =	sld [smem:$0x3FFD];
	_ =	sdelay $0x3  }
0x96: {  	_ =	strace s2  }
0x97: {  	_ =	strace $0x8FFFFFFF  }
0x98: {  	s18 =	sld [smem:$0x3FDB];
	_ =	sdelay $0x1  }
0x99: {  	s19 =	simm.s32 $_scs_section_size  }
0x9a: {  	s4 =	simm.s32 $_size__tile_overlayer_lowered;
	s5 =	simm.s32 $_tile_overlayer_lowered  }
0x9b: {  	s22 =	simm.s32 $0x1BFF;
	s21 =	sshll.u32 s5, $0x1;
	s2 =	sadd.s32 s19, s18  }
0x9c: {  	s6 =	simm.s32 $0x0;
	s20 =	sshll.u32 s4, $0x1;
	s4 =	sadd.s32 s21, s2  }
0x9d: {  	[timem:s6], [sflag:s22] =	dma.local [hbm:s4], s20  }
0x9e: {  	_ =	swait.ge [sflag:s22], s20  }
0x9f: {  	s3 =	ssub.s32 $0x0, s20;
	[sflag:s22] =	ssyncset.done $0x0  }
0xa0: {  	[sflag:s22] =	ssyncadd.s32 s3;
	_ =	sdelay $0x1  }
0xa1: {  	s23 =	simm.s32 $0x1B8B  }
0xa2: {  	_ =	swait.ge [sflag:s23], $0x1  }
0xa3: {  	[sflag:s23] =	ssyncset.done $0x0  }
0xa4: {  	s25 =	simm.s32 $0x1B8E;
	s24 =	sld [smem:$0x3FFE];
	[sflag:s23] =	ssyncadd.s32 $0xFFFFFFFF  }
0xa5: {  	s26 =	simm.s32 $execute0_lowered;
	[smem:$0x3FD2] =	sst s25  }
0xa6: {  	s4 =	sshll.u32 s26, $0x1;
	_ =	strace $0x80000049;
	[dreg:$0x1] =	wrdreg $0xFFFFFFFF  }
0xa7: {  	s28 =	simm.s32 $_size_execute0_lowered;
	s2 =	sadd.s32 s2, s4;
	[dreg:$0x0] =	wrdreg $0x0  }
0xa8: {  	s4 =	sshll.u32 s28, $0x1;
	[dreg:$0x2] =	wrdreg s2  }
0xa9: {  	[dreg:$0x3] =	wrdreg s4  }
0xaa: {  	[dreg:$0x4] =	wrdreg $0xC0  }
0xab: {  	_ =	task [dreg:s6], $0x5FFFF  }
0xac: {  	[dreg:$0x1] =	wrdreg $0xFFFFFFFF  }
0xad: {  	[dreg:$0x0] =	wrdreg $0x60  }
0xae: {  	[dreg:$0x2] =	wrdreg s24  }
0xaf: {  	[dreg:$0x3] =	wrdreg $0x77000  }
0xb0: {  	[dreg:$0x4] =	wrdreg $0x79780  }
0xb1: {  	[dreg:$0x5] =	wrdreg $0x9  }
0xb2: {  	_ =	task.clear_ibuf [dreg:s6], $0x6FFFF;
	_ =	strace $0x90000049  }
0xb3: {  	s29 =	simm.s32 $0x9;
	_ =	strace $0x8000004B  }
0xb4: {  	_ =	swait.ge [sflag:s29], $0x1  }
0xb5: {  	[sflag:s29] =	ssyncadd.s32 $0xFFFFFFFF  }
0xb6: {  	_ =	strace $0x9000004B  }
0xb7: {  	_ =	sfence  }
0xb8: {  	s30 =	sld [smem:$0x0];
	_ =	sdelay $0x2  }
0xb9: {  	s31 =	sshll.u32 s1, $0xD;
	s1 =	sshrl.u32 s1, $0x2  }
0xba: {  	s3 =	sand.u32 $0x4000, s31;
	s1 =	sadd.s32 s1, s30  }
0xbb: {  	s0 =	sor.u32 s3, s0;
	s1 =	sshll.u32 s1, $0x11  }
0xbc: {  	s0 =	sor.u32 s1, s0  }
0xbd: {  	s0 =	sadd.s32 $0x8F2B, s0  }
0xbe: {  	[sflag:s0] =	ssyncadd.remote.s32 $0x1  }
0xbf: {  	_ =	sfence.sel $0xFFFF  }
0xc0: {  	[dreg:$0x0] =	wrdreg $0xFFFFFFFF;
	(pc) =	sbr.abs _section_cstart, $3  }
0xc1: {  	[dreg:$0x1] =	wrdreg $0xFFFFFFFF  }
0xc2: {  	_ =	task.clear_ibuf [dreg:s6], $0x2FFFF;
	_ =	strace $0x9FFFFFFF  }
0xc3: {  	(tm) =	ssettm $0x7FFFFFFF  }
tec
execute0_lowered:
.L_overlay_start_1:
0x0: {  	(tag) =	ssettag $0x1  }
0x1: {  	s7 =	rddreg [dreg:$0x0]  }
0x2: {  	s0 =	srdreg.scid;
	s1 =	rddreg [dreg:$0x1]  }
0x3: {  	s13 =	simm.s32 $0x0;
	s28 =	simm.s32 $0x5750;
	s30 =	simm.s32 $0x5F20  }
0x4: {  	s31 =	simm.s32 $0x2;
	s4 =	sand.u32 $0x1, s0;
	s0 =	stileid.u32  }
0x5: {  	[smem:$0x7FF] =	sst s13;
	s11 =	sadd.s32 $0x16A00, s7;
	s15 =	sadd.s32 $0x15A00, s7  }
0x6: {  	s16 =	sadd.s32 $0x15400, s7;
	s5 =	sshll.u32 s4, $0x4;
	s3 =	sshll.u32 s0, $0x7  }
0x7: {  	s4 =	ssub.s32 $0x2, s4;
	p1 =	seq.s32 s0, $0x1;
	s6 =	sor.u32 s0, s5  }
0x8: {  	p0 =	sne.s32 s0, $0x0;
	s9 =	sand.u32 $0x380, s3;
	s14 =	smul.u32 $0x2800, s6  }
0x9: {  	s12 =	sshrl.u32 s4, $0x1;
	s2 =	sshrl.u32 s6, $0x3;
	s10 =	smul.u32 $0x280, s6  }
0xa: {  	s5 =	sadd.s32 s5, s7;
	s8 =	smul.u32 $0x13C00, s2;
	s2 =	rddreg [dreg:$0x2]  }
0xb: {  	s13 =	smul.u32 $0x5, s6;
	_ =	strace $0x8000004A;
	[dreg:$0x4] =	wrdreg s15  }
0xc: {  	s4 =	ssub.s32 s4, s12;
	[dreg:$0x5] =	wrdreg s16;
	s16 =	simm.s32 $0x3  }
0xd: {  	s15 =	simm.s32 $0x66F0;
	s17 =	sand.u32 $0x7C000, s14;
	s18 =	sand.u32 $0x380, s10  }
0xe: {  	s20 =	sadd.s32 $0x1, s13;
	s22 =	sadd.s32 $0x2, s13;
	s24 =	sadd.s32 $0x3, s13  }
0xf: {  	s13 =	sadd.s32 $0x4, s13;
	s29 =	sshrl.u32 s2, $0x3;
	s8 =	sor.u32 s9, s8  }
0x10: {  	s19 =	sor.u32 s18, s17;
	s21 =	sshll.u32 s20, $0x8;
	s23 =	sshll.u32 s22, $0x4  }
0x11: {  	s10 =	sshll.u32 s22, $0x8;
	s25 =	sshll.u32 s24, $0x8;
	s14 =	sshll.u32 s13, $0x4  }
0x12: {  	s13 =	sshll.u32 s13, $0x8;
	[dreg:$0x6] =	wrdreg s29;
	s17 =	simm.s32 $0x80  }
0x13: {  	s18 =	simm.s32 $0x400;
	s22 =	simm.s32 $0x3F80;
	s8 =	sshrl.u32 s8, $0x3  }
0x14: {  	s9 =	sand.u32 $0x1F800, s21;
	s12 =	sand.u32 $0x70, s23;
	s10 =	sand.u32 $0x1F800, s10  }
0x15: {  	s14 =	sand.u32 $0x70, s14;
	s26 =	sand.u32 $0x1F800, s13;
	s8 =	sadd.s32 s8, s7  }
0x16: {  	s13 =	smax.u32 s4, $0x1;
	s6 =	sadd.s32 $0x20A00, s8;
	s8 =	sshll.u32 s20, $0x4  }
0x17: {  	s21 =	simm.s32 $0x3780;
	s23 =	simm.s32 $0x4780;
	s8 =	sand.u32 $0x70, s8  }
0x18: {  	s7 =	sshrl.u32 s19, $0x3;
	s12 =	sadd.s32 s11, s12;
	s8 =	sadd.s32 s11, s8  }
0x19: {  	s19 =	simm.s32 $0x2780;
	s7 =	sadd.s32 s11, s7;
	s8 =	sadd.s32 s9, s8  }
.Ltmp0:
0x1a: {  	s9 =	sadd.s32 s10, s12;
	s10 =	sshll.u32 s24, $0x4;
	(pc) =	sbr.rel .LBB2_1-.Ltmp0, $4  }
0x1b: {  	s20 =	simm.s32 $0x2F80;
	s12 =	sand.u32 $0x1F800, s25;
	s10 =	sand.u32 $0x70, s10  }
0x1c: {  	s24 =	simm.s32 $0x7D0;
	s10 =	sadd.s32 s11, s10;
	s11 =	sadd.s32 s11, s14  }
0x1d: {  	s25 =	simm.s32 $0x4F80;
	s10 =	sadd.s32 s12, s10;
	s11 =	sadd.s32 s26, s11  }
0x1e: {  	s12 =	sadd.s32 $0x16000, s5;
	s26 =	simm.s32 $0x1;
	s5 =	simm.s32 $0x6EC0  }
.LBB2_4:
0x1f: {  	s0 =	rddreg [dreg:$0x4]  }
0x20: {  	s3 =	rddreg [dreg:$0x6];
	s4 =	simm.s32 $0x1C43  }
0x21: {  	[spmem:s3], [sflag:s4] =	dma.local [hbm:s0], $0x4F0  }
.LBB2_5:
0x22: {  	_ =	swait.ge [sflag:s16], $0x4F0  }
0x23: {  	[sflag:s16] =	ssyncset.done $0x0  }
0x24: {  	[sflag:s16] =	ssyncadd.s32 $0xFFFFFB10  }
.LBB2_6:
0x25: {  	s0 =	simm.s32 $0x0  }
0x26: {  	[tilespmem:s0], [sflag:$0x3] =	stream.strided.gather [hbm4b:s6+s17], $0x2780, s18, s17, $0x38;
	[tilespmem:$0x7BF0] =	vst v63  }
0x27: {  	_ =	swait.ge [sflag:s16], $0x2780  }
0x28: {  	[sflag:s16] =	ssyncset.done $0x0  }
0x29: {  	[sflag:s16] =	ssyncadd.s32 $0xFFFFD880  }
0x2a: {  	[tilespmem:s19], [sflag:$0x3] =	stream.strided.gather [hbm4b:s7+s17], $0x800, s18, s17, $0x38;
	[tilespmem:$0x7BF0] =	vst v63  }
0x2b: {  	_ =	swait.ge [sflag:s16], $0x800  }
0x2c: {  	[sflag:s16] =	ssyncset.done $0x0  }
0x2d: {  	[sflag:s16] =	ssyncadd.s32 $0xFFFFF800  }
0x2e: {  	[tilespmem:s20], [sflag:$0x3] =	stream.strided.gather [hbm4b:s8+s17], $0x800, s18, s17, $0x38;
	[tilespmem:$0x7BF0] =	vst v63  }
0x2f: {  	_ =	swait.ge [sflag:s16], $0x800  }
0x30: {  	[sflag:s16] =	ssyncset.done $0x0  }
0x31: {  	[sflag:s16] =	ssyncadd.s32 $0xFFFFF800  }
0x32: {  	[tilespmem:s21], [sflag:$0x3] =	stream.strided.gather [hbm4b:s9+s17], $0x800, s18, s17, $0x38;
	[tilespmem:$0x7BF0] =	vst v63  }
0x33: {  	_ =	swait.ge [sflag:s16], $0x800  }
0x34: {  	[sflag:s16] =	ssyncset.done $0x0  }
0x35: {  	[sflag:s16] =	ssyncadd.s32 $0xFFFFF800  }
0x36: {  	[tilespmem:s22], [sflag:$0x3] =	stream.strided.gather [hbm4b:s10+s17], $0x800, s18, s17, $0x38;
	[tilespmem:$0x7BF0] =	vst v63  }
0x37: {  	_ =	swait.ge [sflag:s16], $0x800  }
0x38: {  	[sflag:s16] =	ssyncset.done $0x0  }
0x39: {  	[sflag:s16] =	ssyncadd.s32 $0xFFFFF800  }
0x3a: {  	[tilespmem:s23], [sflag:$0x3] =	stream.strided.gather [hbm4b:s11+s17], $0x800, s18, s17, $0x38;
	[tilespmem:$0x7BF0] =	vst v63  }
0x3b: {  	_ =	swait.ge [sflag:s16], $0x800  }
0x3c: {  	[sflag:s16] =	ssyncset.done $0x0  }
0x3d: {  	[sflag:s16] =	ssyncadd.s32 $0xFFFFF800  }
0x3e: {  	[bflag:$0x0] =	sbarrier.arrive $0xFFFF  }
0x3f: {  	[tilespmem:s25], [sflag:$0x1] =	stream.indirect.gather [spmem:s2], $0x1, s0, s24, $0xb8;
	[tilespmem:$0x7BF0] =	vst v63  }
0x40: {  	_ =	swait.ge [sflag:s26], $0x7D0  }
0x41: {  	[sflag:s26] =	ssyncset.done $0x0  }
0x42: {  	[sflag:s26] =	ssyncadd.s32 $0xFFFFF830  }
0x43: {  	[tilespmem:s28], [sflag:$0x1] =	stream.indirect.gather [spmem:s2], $0x1, s24, s24, $0xb8;
	[tilespmem:$0x7BF0] =	vst v63  }
0x44: {  	_ = 	snop  }
0x45: {  	[spmem:s1] =	stream.indirect.scatter.add.f32 [tilespmem:s25], [sflag:$0x2], $0x1, s19, s24, $0xb8;
	[tilespmem:$0x7BF0] =	vst v63  }
0x46: {  	_ =	swait.ge [sflag:s26], $0x7D0  }
0x47: {  	[sflag:s26] =	ssyncset.done $0x0  }
0x48: {  	s4 =	simm.s32 $0xFA0;
	[sflag:s26] =	ssyncadd.s32 $0xFFFFF830  }
0x49: {  	[tilespmem:s30], [sflag:$0x1] =	stream.indirect.gather [spmem:s2], $0x1, s4, s24, $0xb8;
	[tilespmem:$0x7BF0] =	vst v63  }
0x4a: {  	_ =	swait.ge [sflag:s31], $0x7D0  }
0x4b: {  	[sflag:s31] =	ssyncset.done $0x0  }
0x4c: {  	[sflag:s31] =	ssyncadd.s32 $0xFFFFF830  }
0x4d: {  	[spmem:s1] =	stream.indirect.scatter.add.f32 [tilespmem:s28], [sflag:$0x2], $0x1, s20, s24, $0xb8;
	[tilespmem:$0x7BF0] =	vst v63  }
0x4e: {  	_ =	swait.ge [sflag:s26], $0x7D0  }
0x4f: {  	[sflag:s26] =	ssyncset.done $0x0  }
0x50: {  	s14 =	simm.s32 $0x1770;
	[sflag:s26] =	ssyncadd.s32 $0xFFFFF830  }
0x51: {  	[tilespmem:s15], [sflag:$0x1] =	stream.indirect.gather [spmem:s2], $0x1, s14, s24, $0xb8;
	[tilespmem:$0x7BF0] =	vst v63  }
0x52: {  	_ =	swait.ge [sflag:s31], $0x7D0  }
0x53: {  	[sflag:s31] =	ssyncset.done $0x0  }
0x54: {  	[sflag:s31] =	ssyncadd.s32 $0xFFFFF830  }
0x55: {  	[spmem:s1] =	stream.indirect.scatter.add.f32 [tilespmem:s30], [sflag:$0x2], $0x1, s21, s24, $0xb8;
	[tilespmem:$0x7BF0] =	vst v63  }
0x56: {  	_ =	swait.ge [sflag:s26], $0x7D0  }
0x57: {  	[sflag:s26] =	ssyncset.done $0x0  }
0x58: {  	s29 =	simm.s32 $0x1F40;
	[sflag:s26] =	ssyncadd.s32 $0xFFFFF830  }
0x59: {  	[tilespmem:s5], [sflag:$0x1] =	stream.indirect.gather [spmem:s2], $0x1, s29, s24, $0xb8;
	[tilespmem:$0x7BF0] =	vst v63  }
0x5a: {  	_ =	swait.ge [sflag:s31], $0x7D0  }
0x5b: {  	[sflag:s31] =	ssyncset.done $0x0  }
0x5c: {  	[sflag:s31] =	ssyncadd.s32 $0xFFFFF830  }
0x5d: {  	[spmem:s1] =	stream.indirect.scatter.add.f32 [tilespmem:s15], [sflag:$0x2], $0x1, s22, s24, $0xb8;
	[tilespmem:$0x7BF0] =	vst v63  }
0x5e: {  	_ =	swait.ge [sflag:s26], $0x7D0  }
0x5f: {  	[sflag:s26] =	ssyncset.done $0x0  }
0x60: {  	[sflag:s26] =	ssyncadd.s32 $0xFFFFF830  }
0x61: {  	_ =	swait.ge [sflag:s31], $0x7D0  }
0x62: {  	[sflag:s31] =	ssyncset.done $0x0  }
0x63: {  	[sflag:s31] =	ssyncadd.s32 $0xFFFFF830  }
0x64: {  	[spmem:s1] =	stream.indirect.scatter.add.f32 [tilespmem:s5], [sflag:$0x2], $0x1, s23, s24, $0xb8;
	[tilespmem:$0x7BF0] =	vst v63  }
0x65: {  	s13 =	sadd.s32 $0xFFFFFFFF, s13;
	_ =	swait.ge [sflag:s31], $0x7D0  }
0x66: {  	s3 =	simm.s32 @!p0 $0x1C03;
	p2 =	sne.s32 s13, $0x0;
	[sflag:s31] =	ssyncset.done $0x0  }
0x67: {  	s0 =	simm.s32 @!p0 $0x20;
	s4 =	simm.s32 @!p0 $0x10;
	[sflag:s31] =	ssyncadd.s32 $0xFFFFF830  }
0x68: {  	s14 =	sshrl.u32 @!p0 s1, $0x3;
	s29 =	simm.s32 @!p0 $0x1;
	[bflag:$0x0] =	sbarrier.arrive $0xFFFF  }
0x69: {  	[hbm:s12@s0], [sflag:s3] =	dma.strided @!p0 [spmem:s14@s4], $0x4F0, s29, $0x10   }
.Ltmp1:
0x6a: {  	_ = 	snop;
	(pc) =	sbr.rel @!p2 .LBB2_7-.Ltmp1, $4  }
0x6b: {  	s0 =	simm.s32 @!p0 $0x3  }
0x6c: {  	_ =	swait.ge @!p0 [sflag:s0], $0x4F0  }
0x6d: {  	[sflag:s0] =	ssyncset.done @!p0 $0x0  }
0x6e: {  	[sflag:s0] =	ssyncadd.s32 @!p0 $0xFFFFFB10  }
.LBB2_1:
.Ltmp2:
0x6f: {  	(pc) =	sbr.rel @p1 .LBB2_4-.Ltmp2, $1  }
0x70: {  	_ =	sdelay $0x3  }
.Ltmp3:
0x71: {  	(pc) =	sbr.rel @p0 .LBB2_6-.Ltmp3, $1  }
0x72: {  	_ =	sdelay $0x3  }
.Ltmp4:
0x73: {  	(pc) =	sbr.rel .LBB2_5-.Ltmp4, $3  }
0x74: {  	_ =	sdelay $0x1  }
0x75: {  	s14 =	sshrl.u32 s1, $0x3;
	s0 =	rddreg [dreg:$0x5];
	s3 =	simm.s32 $0x1C03  }
0x76: {  	[spmem:s14], [sflag:s3] =	dma.local [hbm:s0], $0x4F0  }
.LBB2_7:
0x77: {  	_ =	sfence.sel $0x180000  }
0x78: {  	[bflag:$0x0] =	sbarrier.arrive $0xFFFF  }
0x79: {  	_ =	strace $0x9000004A  }
0x7a: {  	[bflag:$0x2] =	sbarrier.arrive $0xFFFF  }
0x7b: {  	s0 =	rddreg [dreg:$0x3]  }
0x7c: {  	s0 =	sadd.s32 @!p0 $0x100000, s0  }
0x7d: {  	[sflag:s0] =	ssyncadd.tile.s32 @!p0 $0x1;
	_ =	shalt  }
.Lfunc_end2:
_tile_overlayer_lowered:
.L_overlay_start_2:
0x7e: {  	(tag) =	ssettag $0x2  }
0x7f: {  	s0 =	rddreg [dreg:$0x0];
	s2 =	stileid.u32  }
0x80: {  	s1 =	rddreg [dreg:$0x1];
	p0 =	sne.s32 s2, $0x0  }
0x81: {  	s3 =	rddreg [dreg:$0x2];
	[bflag:$0x3] =	sbarrier.arrive $0xFFFF;
	s2 =	simm.s32 @!p0 $0x1C03  }
0x82: {  	[timem:s3], [sflag:s2] =	dma.local @!p0 [hbm:s0], s1  }
0x83: {  	s0 =	simm.s32 @!p0 $0x3  }
0x84: {  	_ =	swait.ge @!p0 [sflag:s0], s1  }
0x85: {  	s1 =	ssub.s32 @!p0 $0x0, s1;
	[sflag:s0] =	ssyncset.done @!p0 $0x0  }
0x86: {  	[sflag:s0] =	ssyncadd.s32 @!p0 s1  }
0x87: {  	[bflag:$0x3] =	sbarrier.arrive $0xFFFF  }
0x88: {  	_ =	shalt  }

</sc_bundles>
